<compile_context>
chip_gen: v7x
topology: tpu7x:2x2x1
jax: 0.10.2.dev20260603
libtpu: 0.0.44.dev20260713+nightly
codegen_flags: <defaults>
</compile_context>

<pallas_src>
import functools

import jax
import jax.numpy as jnp
import numpy as np
from jax import lax
from jax.experimental import pallas as pl
from jax.experimental.pallas import tpu as pltpu
from jax.experimental.pallas import tpu_sc as plsc

IH, IW = 256, 704
FH, FW = 16, 44
D_BINS = 59
N_CAM = 6
C_OUT = 80
C_HALF = 40
NX0, NX1 = 180, 180
NPTS = N_CAM * D_BINS * FH * FW
PT_ROWS = NPTS // 128
PTS_PER_CAM = D_BINS * FH * FW
CAM_ROWS = 328

GRID = NX0 * NX1
HALF = GRID // 2
DUMMY_SPREAD = 1024
ACC_ROWS = 17280
N_SC = 2
N_TILE = 16

_LO0 = float(np.float32(-53.7) - np.float32(0.6) / np.float32(2.0))
_LO2 = float(np.float32(0.0) - np.float32(20.0) / np.float32(2.0))
_DX0 = float(np.float32(0.6))
_DX2 = float(np.float32(20.0))


def _inv3(a):
    c00 = a[..., 1, 1] * a[..., 2, 2] - a[..., 1, 2] * a[..., 2, 1]
    c01 = a[..., 1, 2] * a[..., 2, 0] - a[..., 1, 0] * a[..., 2, 2]
    c02 = a[..., 1, 0] * a[..., 2, 1] - a[..., 1, 1] * a[..., 2, 0]
    c10 = a[..., 0, 2] * a[..., 2, 1] - a[..., 0, 1] * a[..., 2, 2]
    c11 = a[..., 0, 0] * a[..., 2, 2] - a[..., 0, 2] * a[..., 2, 0]
    c12 = a[..., 0, 1] * a[..., 2, 0] - a[..., 0, 0] * a[..., 2, 1]
    c20 = a[..., 0, 1] * a[..., 1, 2] - a[..., 0, 2] * a[..., 1, 1]
    c21 = a[..., 0, 2] * a[..., 1, 0] - a[..., 0, 0] * a[..., 1, 2]
    c22 = a[..., 0, 0] * a[..., 1, 1] - a[..., 0, 1] * a[..., 1, 0]
    det = a[..., 0, 0] * c00 + a[..., 0, 1] * c01 + a[..., 0, 2] * c02
    adj = jnp.stack([
        jnp.stack([c00, c10, c20], axis=-1),
        jnp.stack([c01, c11, c21], axis=-1),
        jnp.stack([c02, c12, c22], axis=-1),
    ], axis=-2)
    return adj / det[..., None, None]


def _geom_idx_kernel(fx_ref, fy_ref, fd_ref, coef_ref, idx0_ref, idx1_ref):
    n = pl.program_id(0)
    fx = fx_ref[...]
    fy = fy_ref[...]
    fd = fd_ref[...]

    def sel(k):
        return coef_ref[n, k]

    def bfr(v):
        return v.astype(jnp.bfloat16).astype(jnp.float32)

    ax = bfr(fx - sel(0))
    ay = bfr(fy - sel(1))
    az = bfr(fd - sel(2))
    m = [bfr(jnp.full(fx.shape, sel(k), jnp.float32)) for k in range(3, 12)]
    p0 = m[0] * ax + m[1] * ay + m[2] * az
    p1 = m[3] * ax + m[4] * ay + m[5] * az
    p2 = m[6] * ax + m[7] * ay + m[8] * az
    q0 = bfr(p0 * p2)
    q1 = bfr(p1 * p2)
    q2 = bfr(p2)
    m = [bfr(jnp.full(fx.shape, sel(k), jnp.float32)) for k in range(12, 21)]
    r0 = m[0] * q0 + m[1] * q1 + m[2] * q2
    r1 = m[3] * q0 + m[4] * q1 + m[5] * q2
    r2 = m[6] * q0 + m[7] * q1 + m[8] * q2
    r0 = bfr(r0 + sel(21))
    r1 = bfr(r1 + sel(22))
    r2 = bfr(r2 + sel(23))
    m = [bfr(jnp.full(fx.shape, sel(k), jnp.float32)) for k in range(24, 33)]
    s0 = m[0] * r0 + m[1] * r1 + m[2] * r2
    s1 = m[3] * r0 + m[4] * r1 + m[5] * r2
    s2 = m[6] * r0 + m[7] * r1 + m[8] * r2
    s0 = s0 + sel(33)
    s1 = s1 + sel(34)
    s2 = s2 + sel(35)
    g0 = ((s0 - _LO0) / _DX0).astype(jnp.int32)
    g1 = ((s1 - _LO0) / _DX0).astype(jnp.int32)
    g2 = ((s2 - _LO2) / _DX2).astype(jnp.int32)
    kept = ((g0 >= 0) & (g0 < NX0) & (g1 >= 0) & (g1 < NX1)
            & (g2 >= 0) & (g2 < 1))
    flat = g0 * NX1 + g1
    rows = lax.broadcasted_iota(jnp.int32, fx.shape, 0)
    cols = lax.broadcasted_iota(jnp.int32, fx.shape, 1)
    pid = (n * CAM_ROWS + rows) * 128 + cols
    dummy = HALF + (pid & (DUMMY_SPREAD - 1))
    idx0_ref[...] = jnp.where(kept & (flat < HALF), flat, dummy)
    idx1_ref[...] = jnp.where(kept & (flat >= HALF), flat - HALF, dummy)


def _compute_idx(coeffs, frustum_cam):
    fx, fy, fd = (a.reshape(CAM_ROWS, 128) for a in frustum_cam)
    idx0, idx1 = pl.pallas_call(
        _geom_idx_kernel,
        grid=(N_CAM,),
        in_specs=[
            pl.BlockSpec((CAM_ROWS, 128), lambda n: (0, 0)),
            pl.BlockSpec((CAM_ROWS, 128), lambda n: (0, 0)),
            pl.BlockSpec((CAM_ROWS, 128), lambda n: (0, 0)),
            pl.BlockSpec(memory_space=pltpu.SMEM),
        ],
        out_specs=[
            pl.BlockSpec((CAM_ROWS, 128), lambda n: (n, 0)),
            pl.BlockSpec((CAM_ROWS, 128), lambda n: (n, 0)),
        ],
        out_shape=[
            jax.ShapeDtypeStruct((N_CAM * CAM_ROWS, 128), jnp.int32),
            jax.ShapeDtypeStruct((N_CAM * CAM_ROWS, 128), jnp.int32),
        ],
    )(fx, fy, fd, coeffs)

    def compact(i):
        return i.reshape(N_CAM, CAM_ROWS * 128)[:, :PTS_PER_CAM].reshape(NPTS)

    return compact(idx0), compact(idx1)


def _sc_scatter(x2, idx_all, zeros_acc):
    mesh = plsc.VectorSubcoreMesh(core_axis_name="c", subcore_axis_name="s")

    @functools.partial(
        pl.kernel,
        out_type=jax.ShapeDtypeStruct((GRID, C_OUT), jnp.float32),
        mesh=mesh,
        scratch_types=[
            pltpu.VMEM((128, C_OUT), jnp.float32),
            pltpu.VMEM((128, C_OUT), jnp.float32),
            pltpu.VMEM((128,), jnp.int32),
            pltpu.VMEM((128,), jnp.int32),
            pltpu.SemaphoreType.DMA,
            pltpu.SemaphoreType.DMA,
            pltpu.VMEM_SHARED((ACC_ROWS, C_OUT), jnp.float32),
        ],
        compiler_params=pltpu.CompilerParams(use_tc_tiling_on_sc=False),
    )
    def scatter_kernel(x_hbm, i_hbm, z_hbm, out_hbm,
                       xbuf0, xbuf1, ibuf0, ibuf1, sem0, sem1, accum):
        c = lax.axis_index("c")
        s = lax.axis_index("s")
        ioff = c * NPTS

        zc = ACC_ROWS // N_TILE
        pltpu.sync_copy(z_hbm.at[pl.ds(s * zc, zc)],
                        accum.at[pl.ds(s * zc, zc)])
        plsc.subcore_barrier()

        def loads(k, xb, ib, sem):
            w = s + N_TILE * k
            return (
                pltpu.make_async_copy(
                    i_hbm.at[pl.ds(ioff + w * 128, 128)], ib, sem),
                pltpu.make_async_copy(x_hbm.at[pl.ds(w * 128, 128)], xb, sem),
            )

        def start(k, xb, ib, sem):
            a, b = loads(k, xb, ib, sem)
            a.start()
            b.start()

        def finish(k, xb, ib, sem):
            a, b = loads(k, xb, ib, sem)
            a.wait()
            b.wait()

        start(0, xbuf0, ibuf0, sem0)

        def body(t, _):
            k0 = 2 * t
            k1 = 2 * t + 1
            k2 = 2 * t + 2

            @pl.when(s + N_TILE * k1 < PT_ROWS)
            def _():
                start(k1, xbuf1, ibuf1, sem1)

            finish(k0, xbuf0, ibuf0, sem0)
            pltpu.sync_copy(xbuf0, accum.at[ibuf0], add=True)

            @pl.when(s + N_TILE * k2 < PT_ROWS)
            def _():
                start(k2, xbuf0, ibuf0, sem0)

            @pl.when(s + N_TILE * k1 < PT_ROWS)
            def _():
                finish(k1, xbuf1, ibuf1, sem1)
                pltpu.sync_copy(xbuf1, accum.at[ibuf1], add=True)

            return 0

        lax.fori_loop(0, 61, body, 0)
        plsc.subcore_barrier()

        cw = 200
        nw = HALF // cw
        for k in range((nw + N_TILE - 1) // N_TILE):
            w = s + N_TILE * k

            @pl.when(w < nw)
            def _():
                pltpu.sync_copy(accum.at[pl.ds(w * cw, cw)],
                                out_hbm.at[pl.ds(c * HALF + w * cw, cw)])

    return scatter_kernel(x2, idx_all, zeros_acc)


def kernel(x, camera2ego, lidar2ego, camera_intrinsics, camera2lidar,
           img_aug_matrix, lidar_aug_matrix):
    B = x.shape[0]
    assert B == 1 and x.shape[1] == N_CAM

    intrins = camera_intrinsics[..., :3, :3]
    post_rots = img_aug_matrix[..., :3, :3]
    post_trans = img_aug_matrix[..., :3, 3]
    c2l_rots = camera2lidar[..., :3, :3]
    c2l_trans = camera2lidar[..., :3, 3]
    extra_rots = lidar_aug_matrix[..., :3, :3]
    extra_trans = lidar_aug_matrix[..., :3, 3]
    inv_pr = _inv3(post_rots)
    combine = jnp.einsum('bnij,bnjk->bnik', c2l_rots, _inv3(intrins))

    coeffs = jnp.concatenate([
        post_trans[0],
        inv_pr[0].reshape(N_CAM, 9),
        combine[0].reshape(N_CAM, 9),
        c2l_trans[0],
        jnp.broadcast_to(extra_rots[0].reshape(1, 9), (N_CAM, 9)),
        jnp.broadcast_to(extra_trans[0].reshape(1, 3), (N_CAM, 3)),
        jnp.zeros((N_CAM, 4), jnp.float32),
    ], axis=1)

    ds = jnp.arange(1.0, 60.0, 1.0, dtype=jnp.float32)
    ds = jnp.broadcast_to(ds.reshape(-1, 1, 1), (D_BINS, FH, FW))
    xs_c = jnp.broadcast_to(
        jnp.linspace(0.0, IW - 1.0, FW, dtype=jnp.float32).reshape(1, 1, FW),
        (D_BINS, FH, FW))
    ys_c = jnp.broadcast_to(
        jnp.linspace(0.0, IH - 1.0, FH, dtype=jnp.float32).reshape(1, FH, 1),
        (D_BINS, FH, FW))
    pad = CAM_ROWS * 128 - PTS_PER_CAM

    def flat_pad(a):
        a = jnp.transpose(a, (0, 2, 1)).reshape(-1)
        return jnp.concatenate([a, jnp.zeros((pad,), jnp.float32)])

    frustum_cam = (flat_pad(xs_c), flat_pad(ys_c), flat_pad(ds))

    idx0, idx1 = _compute_idx(coeffs, frustum_cam)
    idx_all = jnp.concatenate([idx0, idx1])
    x2 = x.transpose(0, 1, 2, 4, 3, 5).reshape(NPTS, C_OUT)
    zeros_acc = jnp.zeros((ACC_ROWS, C_OUT), jnp.float32)
    out = _sc_scatter(x2, idx_all, zeros_acc)
    return jnp.transpose(out, (1, 0)).reshape(1, C_OUT, NX0, NX1)

# --- scband reference (transcript-rebuilt; emitter-appended) ---
"""Pipeline reference for scband-base-depth-transform-9294309228776 (READ-ONLY COPY).

The authoritative reference and input builder live on the scoring server;
editing this copy changes nothing except your own understanding.
"""

import jax, jax.numpy as jnp
import numpy as np

IH, IW = 256, 704
FH, FW = 16, 44
DBOUND = (1.0, 60.0, 1.0)
DX = jnp.array([0.6, 0.6, 20.0], dtype=jnp.float32)
BX = jnp.array([-53.7, -53.7, 0.0], dtype=jnp.float32)
NX = (180, 180, 1)
C_OUT = 80


def _make_frustum():
    ds = jnp.arange(DBOUND[0], DBOUND[1], DBOUND[2], dtype=jnp.float32)
    D = ds.shape[0]
    ds = jnp.broadcast_to(ds.reshape(-1, 1, 1), (D, FH, FW))
    xs = jnp.broadcast_to(jnp.linspace(0.0, IW - 1.0, FW, dtype=jnp.float32).reshape(1, 1, FW), (D, FH, FW))
    ys = jnp.broadcast_to(jnp.linspace(0.0, IH - 1.0, FH, dtype=jnp.float32).reshape(1, FH, 1), (D, FH, FW))
    return jnp.stack((xs, ys, ds), axis=-1)


def _get_geometry(c2l_rots, c2l_trans, intrins, post_rots, post_trans, extra_rots, extra_trans):
    frustum = _make_frustum()
    points = frustum[None, None] - post_trans[:, :, None, None, None, :]
    inv_pr = jnp.linalg.inv(post_rots)
    points = jnp.einsum('bnij,bndhwj->bndhwi', inv_pr, points)
    points = jnp.concatenate([points[..., :2] * points[..., 2:3], points[..., 2:3]], axis=-1)
    combine = jnp.einsum('bnij,bnjk->bnik', c2l_rots, jnp.linalg.inv(intrins))
    points = jnp.einsum('bnij,bndhwj->bndhwi', combine, points)
    points = points + c2l_trans[:, :, None, None, None, :]
    points = jnp.einsum('bij,bndhwj->bndhwi', extra_rots, points)
    points = points + extra_trans[:, None, None, None, None, :]
    return points


def _bev_pool(geom_feats, x):
    B, N, D, H, W, C = x.shape
    Nprime = B * N * D * H * W
    xf = x.reshape(Nprime, C)
    gf = ((geom_feats - (BX - DX / 2.0)) / DX).astype(jnp.int32).reshape(Nprime, 3)
    batch_ix = jnp.repeat(jnp.arange(B, dtype=jnp.int32), Nprime // B)
    nx0, nx1, nx2 = NX
    kept = (gf[:, 0] >= 0) & (gf[:, 0] < nx0) & (gf[:, 1] >= 0) & (gf[:, 1] < nx1) & (gf[:, 2] >= 0) & (gf[:, 2] < nx2)
    flat = ((batch_ix * nx2 + gf[:, 2]) * nx0 + gf[:, 0]) * nx1 + gf[:, 1]
    dummy = B * nx2 * nx0 * nx1
    flat = jnp.where(kept, flat, dummy)
    xf = xf * kept[:, None].astype(xf.dtype)
    out = jnp.zeros((dummy + 1, C), dtype=xf.dtype).at[flat].add(xf)
    out = out[:-1].reshape(B, nx2, nx0, nx1, C)
    out = jnp.transpose(out, (0, 4, 1, 2, 3))
    final = jnp.concatenate([out[:, :, z] for z in range(nx2)], axis=1)
    return final


def setup_inputs(seed: int = 0):
    key = jax.random.key(seed)
    B, N, D = 1, 6, 59
    x = jax.random.normal(key, (B, N, D, FH, FW, C_OUT), dtype=jnp.float32)
    intr = np.tile(np.eye(4, dtype=np.float32), (B, N, 1, 1))
    intr[..., 0, 0] = 560.0
    intr[..., 1, 1] = 560.0
    intr[..., 0, 2] = 352.0
    intr[..., 1, 2] = 128.0
    R0 = np.array([[0.0, 0.0, 1.0], [-1.0, 0.0, 0.0], [0.0, -1.0, 0.0]], dtype=np.float32)
    c2l = np.tile(np.eye(4, dtype=np.float32), (B, N, 1, 1))
    for n in range(N):
        yaw = 2.0 * np.pi * n / N
        c, s = np.cos(yaw), np.sin(yaw)
        Rz = np.array([[c, -s, 0.0], [s, c, 0.0], [0.0, 0.0, 1.0]], dtype=np.float32)
        c2l[:, n, :3, :3] = Rz @ R0
        c2l[:, n, :3, 3] = np.array([0.5 * c, 0.5 * s, 1.5], dtype=np.float32)
    ida = np.tile(np.eye(4, dtype=np.float32), (B, N, 1, 1))
    bda = np.tile(np.eye(4, dtype=np.float32), (B, 1, 1))
    c2e = c2l.copy()
    l2e = np.tile(np.eye(4, dtype=np.float32), (B, 1, 1))
    return {
        'x': x,
        'camera2ego': jnp.asarray(c2e),
        'lidar2ego': jnp.asarray(l2e),
        'camera_intrinsics': jnp.asarray(intr),
        'camera2lidar': jnp.asarray(c2l),
        'img_aug_matrix': jnp.asarray(ida),
        'lidar_aug_matrix': jnp.asarray(bda),
    }


def reference(x, camera2ego, lidar2ego, camera_intrinsics, camera2lidar, img_aug_matrix, lidar_aug_matrix):
    intrins = camera_intrinsics[..., :3, :3]
    post_rots = img_aug_matrix[..., :3, :3]
    post_trans = img_aug_matrix[..., :3, 3]
    c2l_rots = camera2lidar[..., :3, :3]
    c2l_trans = camera2lidar[..., :3, 3]
    extra_rots = lidar_aug_matrix[..., :3, :3]
    extra_trans = lidar_aug_matrix[..., :3, 3]
    geom = _get_geometry(c2l_rots, c2l_trans, intrins, post_rots, post_trans, extra_rots, extra_trans)
    geom = jax.lax.stop_gradient(geom)
    return _bev_pool(geom, x)

if __name__ == "__main__":
    import jax
    _d = setup_inputs()
    print(jax.jit(kernel)(*tuple(_d.values())))

</pallas_src>

<mosaic_0001>
#map = affine_map<(d0, d1) -> (0, 0)>
#map1 = affine_map<(d0, d1) -> (0)>
module attributes {stable_mosaic.version = 14 : i64} {
  func.func @scatter_kernel(%arg0: i32, %arg1: i32, %arg2: memref<249216x80xf32, #tpu.memory_space<hbm>>, %arg3: memref<498432xi32, #tpu.memory_space<hbm>>, %arg4: memref<17280x80xf32, #tpu.memory_space<hbm>>, %arg5: memref<32400x80xf32, #tpu.memory_space<hbm>>, %arg6: memref<128x80xf32, #tpu.memory_space<vmem>>, %arg7: memref<128x80xf32, #tpu.memory_space<vmem>>, %arg8: memref<128xi32, #tpu.memory_space<vmem>>, %arg9: memref<128xi32, #tpu.memory_space<vmem>>, %arg10: memref<!tpu.dma_semaphore, #tpu.memory_space<semaphore_mem>>, %arg11: memref<!tpu.dma_semaphore, #tpu.memory_space<semaphore_mem>>, %arg12: memref<17280x80xf32, #tpu.memory_space<vmem_shared>>) attributes {dimension_semantics = [#tpu.dimension_semantics<core_parallel>, #tpu.dimension_semantics<subcore_parallel>], iteration_bounds = array<i64: 2, 16>, scalar_prefetch = 0 : i64, scratch_operands = 7 : i64, tpu.core_type = #tpu.core_type<sc_vector_subcore>, window_params = [{transform_indices = #map}, {transform_indices = #map1}, {transform_indices = #map}, {transform_indices = #map}]} {
    %mul3A = arith.constant 249216 : i32
    %mul3A_0 = arith.muli %arg0, %mul3A : i32
    %mul3A_1 = arith.constant 1080 : i32
    %mul3A_2 = arith.muli %arg1, %mul3A_1 : i32
    %mul3A_3 = arith.constant 1080 : i32
    %mul3A_4 = arith.muli %arg1, %mul3A_3 : i32
    "tpu.region"() ({
      %run_scoped3A = tpu.sem_alloc : memref<!tpu.dma_semaphore, #tpu.memory_space<semaphore_mem>>
      %dma_start3A_62 = arith.constant 0 : i32
      %dma_start3A_63 = tpu.memref_slice %arg12[%mul3A_4, %dma_start3A_62] : memref<17280x80xf32, #tpu.memory_space<vmem_shared>> -> memref<1080x80xf32, #tpu.memory_space<vmem_shared>>
      %dma_start3A_64 = arith.constant 0 : i32
      %dma_start3A_65 = tpu.memref_slice %arg4[%mul3A_2, %dma_start3A_64] : memref<17280x80xf32, #tpu.memory_space<hbm>> -> memref<1080x80xf32, #tpu.memory_space<hbm>>
      tpu.enqueue_dma source(%dma_start3A_65 : memref<1080x80xf32, #tpu.memory_space<hbm>>) target(%dma_start3A_63 : memref<1080x80xf32, #tpu.memory_space<vmem_shared>>) target_semaphore(%run_scoped3A : memref<!tpu.dma_semaphore, #tpu.memory_space<semaphore_mem>>)
      %dma_wait3A = arith.constant 0 : i32
      %dma_wait3A_66 = tpu.memref_slice %arg12[%mul3A_4, %dma_wait3A] : memref<17280x80xf32, #tpu.memory_space<vmem_shared>> -> memref<1080x80xf32, #tpu.memory_space<vmem_shared>>
      %dma_wait3A_67 = arith.constant 0 : i32
      %dma_wait3A_68 = tpu.memref_slice %arg4[%mul3A_2, %dma_wait3A_67] : memref<17280x80xf32, #tpu.memory_space<hbm>> -> memref<1080x80xf32, #tpu.memory_space<hbm>>
      tpu.wait_dma2 semaphore(%run_scoped3A : memref<!tpu.dma_semaphore, #tpu.memory_space<semaphore_mem>>) src(%dma_wait3A_68 : memref<1080x80xf32, #tpu.memory_space<hbm>>) dst(%dma_wait3A_66 : memref<1080x80xf32, #tpu.memory_space<vmem_shared>>)
      tpu.yield
    }) : () -> ()
    %barrier3A = arith.constant 0 : index
    tpu.barrier barrier_id(%barrier3A)
    %add3A = arith.constant 0 : i32
    %add3A_5 = arith.addi %arg1, %add3A : i32
    %mul3A_6 = arith.constant 128 : i32
    %mul3A_7 = arith.muli %add3A_5, %mul3A_6 : i32
    %add3A_8 = arith.addi %mul3A_0, %mul3A_7 : i32
    %mul3A_9 = arith.constant 128 : i32
    %mul3A_10 = arith.muli %add3A_5, %mul3A_9 : i32
    %dma_start3A = tpu.memref_slice %arg3[%add3A_8] : memref<498432xi32, #tpu.memory_space<hbm>> -> memref<128xi32, #tpu.memory_space<hbm>>
    %dma_start3A_11 = tpu.memref_slice %arg3[%add3A_8] : memref<498432xi32, #tpu.memory_space<hbm>> -> memref<128xi32, #tpu.memory_space<hbm>>
    tpu.enqueue_dma source(%dma_start3A_11 : memref<128xi32, #tpu.memory_space<hbm>>) target(%arg8 : memref<128xi32, #tpu.memory_space<vmem>>) target_semaphore(%arg10 : memref<!tpu.dma_semaphore, #tpu.memory_space<semaphore_mem>>)
    %dma_start3A_12 = arith.constant 0 : i32
    %dma_start3A_13 = tpu.memref_slice %arg2[%mul3A_10, %dma_start3A_12] : memref<249216x80xf32, #tpu.memory_space<hbm>> -> memref<128x80xf32, #tpu.memory_space<hbm>>
    %dma_start3A_14 = arith.constant 0 : i32
    %dma_start3A_15 = tpu.memref_slice %arg2[%mul3A_10, %dma_start3A_14] : memref<249216x80xf32, #tpu.memory_space<hbm>> -> memref<128x80xf32, #tpu.memory_space<hbm>>
    tpu.enqueue_dma source(%dma_start3A_15 : memref<128x80xf32, #tpu.memory_space<hbm>>) target(%arg6 : memref<128x80xf32, #tpu.memory_space<vmem>>) target_semaphore(%arg10 : memref<!tpu.dma_semaphore, #tpu.memory_space<semaphore_mem>>)
    %scan3A = arith.constant 0 : i32
    %scan3A_16 = arith.constant 0 : i32
    %scan3A_17 = arith.constant 61 : i32
    %scan3A_18 = arith.addi %scan3A_16, %scan3A_17 : i32
    %scan3A_19 = arith.constant 1 : i32
    %scan3A_20 = scf.for %scan3A_62 = %scan3A_16 to %scan3A_18 step %scan3A_19 iter_args(%scan3A_63 = %scan3A) -> (i32)  : i32 {
      %mul3A_64 = arith.constant 2 : i32
      %mul3A_65 = arith.muli %mul3A_64, %scan3A_62 : i32
      %mul3A_66 = arith.constant 2 : i32
      %mul3A_67 = arith.muli %mul3A_66, %scan3A_62 : i32
      %add3A_68 = arith.constant 1 : i32
      %add3A_69 = arith.addi %mul3A_67, %add3A_68 : i32
      %mul3A_70 = arith.constant 2 : i32
      %mul3A_71 = arith.muli %mul3A_70, %scan3A_62 : i32
      %add3A_72 = arith.constant 2 : i32
      %add3A_73 = arith.addi %mul3A_71, %add3A_72 : i32
      %mul3A_74 = arith.constant 16 : i32
      %mul3A_75 = arith.muli %mul3A_74, %add3A_69 : i32
      %add3A_76 = arith.addi %arg1, %mul3A_75 : i32
      %lt3A_77 = arith.constant 1947 : i32
      %lt3A_78 = arith.cmpi slt, %add3A_76, %lt3A_77 : i32
      %convert_element_type3A_79 = arith.extui %lt3A_78 : i1 to i32
      %cond3A_80 = arith.constant 0 : i32
      %cond3A_81 = arith.cmpi ne, %convert_element_type3A_79, %cond3A_80 : i32
      scf.if %cond3A_81 {
        %mul3A_112 = arith.constant 16 : i32
        %mul3A_113 = arith.muli %mul3A_112, %add3A_69 : i32
        %add3A_114 = arith.addi %arg1, %mul3A_113 : i32
        %mul3A_115 = arith.constant 128 : i32
        %mul3A_116 = arith.muli %add3A_114, %mul3A_115 : i32
        %add3A_117 = arith.addi %mul3A_0, %mul3A_116 : i32
        %mul3A_118 = arith.constant 128 : i32
        %mul3A_119 = arith.muli %add3A_114, %mul3A_118 : i32
        %dma_start3A_120 = tpu.memref_slice %arg3[%add3A_117] : memref<498432xi32, #tpu.memory_space<hbm>> -> memref<128xi32, #tpu.memory_space<hbm>>
        %dma_start3A_121 = tpu.memref_slice %arg3[%add3A_117] : memref<498432xi32, #tpu.memory_space<hbm>> -> memref<128xi32, #tpu.memory_space<hbm>>
        tpu.enqueue_dma source(%dma_start3A_121 : memref<128xi32, #tpu.memory_space<hbm>>) target(%arg9 : memref<128xi32, #tpu.memory_space<vmem>>) target_semaphore(%arg11 : memref<!tpu.dma_semaphore, #tpu.memory_space<semaphore_mem>>)
        %dma_start3A_122 = arith.constant 0 : i32
        %dma_start3A_123 = tpu.memref_slice %arg2[%mul3A_119, %dma_start3A_122] : memref<249216x80xf32, #tpu.memory_space<hbm>> -> memref<128x80xf32, #tpu.memory_space<hbm>>
        %dma_start3A_124 = arith.constant 0 : i32
        %dma_start3A_125 = tpu.memref_slice %arg2[%mul3A_119, %dma_start3A_124] : memref<249216x80xf32, #tpu.memory_space<hbm>> -> memref<128x80xf32, #tpu.memory_space<hbm>>
        tpu.enqueue_dma source(%dma_start3A_125 : memref<128x80xf32, #tpu.memory_space<hbm>>) target(%arg7 : memref<128x80xf32, #tpu.memory_space<vmem>>) target_semaphore(%arg11 : memref<!tpu.dma_semaphore, #tpu.memory_space<semaphore_mem>>)
      } else {
      }
      %mul3A_82 = arith.constant 16 : i32
      %mul3A_83 = arith.muli %mul3A_82, %mul3A_65 : i32
      %add3A_84 = arith.addi %arg1, %mul3A_83 : i32
      %mul3A_85 = arith.constant 128 : i32
      %mul3A_86 = arith.muli %add3A_84, %mul3A_85 : i32
      %add3A_87 = arith.addi %mul3A_0, %mul3A_86 : i32
      %mul3A_88 = arith.constant 128 : i32
      %mul3A_89 = arith.muli %add3A_84, %mul3A_88 : i32
      %dma_wait3A = tpu.memref_slice %arg3[%add3A_87] : memref<498432xi32, #tpu.memory_space<hbm>> -> memref<128xi32, #tpu.memory_space<hbm>>
      %dma_wait3A_90 = tpu.memref_slice %arg3[%add3A_87] : memref<498432xi32, #tpu.memory_space<hbm>> -> memref<128xi32, #tpu.memory_space<hbm>>
      tpu.wait_dma2 semaphore(%arg10 : memref<!tpu.dma_semaphore, #tpu.memory_space<semaphore_mem>>) src(%dma_wait3A_90 : memref<128xi32, #tpu.memory_space<hbm>>) dst(%arg8 : memref<128xi32, #tpu.memory_space<vmem>>)
      %dma_wait3A_91 = arith.constant 0 : i32
      %dma_wait3A_92 = tpu.memref_slice %arg2[%mul3A_89, %dma_wait3A_91] : memref<249216x80xf32, #tpu.memory_space<hbm>> -> memref<128x80xf32, #tpu.memory_space<hbm>>
      %dma_wait3A_93 = arith.constant 0 : i32
      %dma_wait3A_94 = tpu.memref_slice %arg2[%mul3A_89, %dma_wait3A_93] : memref<249216x80xf32, #tpu.memory_space<hbm>> -> memref<128x80xf32, #tpu.memory_space<hbm>>
      tpu.wait_dma2 semaphore(%arg10 : memref<!tpu.dma_semaphore, #tpu.memory_space<semaphore_mem>>) src(%dma_wait3A_94 : memref<128x80xf32, #tpu.memory_space<hbm>>) dst(%arg6 : memref<128x80xf32, #tpu.memory_space<vmem>>)
      "tpu.region"() ({
        %run_scoped3A = tpu.sem_alloc : memref<!tpu.dma_semaphore, #tpu.memory_space<semaphore_mem>>
        %dma_start3A_112 = arith.constant 0 : i32
        %dma_start3A_113 = arith.constant 0 : i32
        %dma_start3A_114 = tpu.memref_slice %arg12[%dma_start3A_112, %dma_start3A_113] : memref<17280x80xf32, #tpu.memory_space<vmem_shared>> -> memref<17280x80xf32, #tpu.memory_space<vmem_shared>>
        tpu.enqueue_indirect_dma source(%arg6 : memref<128x80xf32, #tpu.memory_space<vmem>>) target(%dma_start3A_114 : memref<17280x80xf32, #tpu.memory_space<vmem_shared>>) offsets(%arg8 : memref<128xi32, #tpu.memory_space<vmem>>) semaphore(%run_scoped3A : memref<!tpu.dma_semaphore, #tpu.memory_space<semaphore_mem>>) {add = true}
        %dma_wait3A_115 = arith.constant 0 : i32
        %dma_wait3A_116 = arith.constant 0 : i32
        %dma_wait3A_117 = tpu.memref_slice %arg12[%dma_wait3A_115, %dma_wait3A_116] : memref<17280x80xf32, #tpu.memory_space<vmem_shared>> -> memref<17280x80xf32, #tpu.memory_space<vmem_shared>>
        tpu.wait_indirect_dma semaphore(%run_scoped3A : memref<!tpu.dma_semaphore, #tpu.memory_space<semaphore_mem>>) src(%arg6 : memref<128x80xf32, #tpu.memory_space<vmem>>) dst(%dma_wait3A_117 : memref<17280x80xf32, #tpu.memory_space<vmem_shared>>)
        tpu.yield
      }) : () -> ()
      %mul3A_95 = arith.constant 16 : i32
      %mul3A_96 = arith.muli %mul3A_95, %add3A_73 : i32
      %add3A_97 = arith.addi %arg1, %mul3A_96 : i32
      %lt3A_98 = arith.constant 1947 : i32
      %lt3A_99 = arith.cmpi slt, %add3A_97, %lt3A_98 : i32
      %convert_element_type3A_100 = arith.extui %lt3A_99 : i1 to i32
      %cond3A_101 = arith.constant 0 : i32
      %cond3A_102 = arith.cmpi ne, %convert_element_type3A_100, %cond3A_101 : i32
      scf.if %cond3A_102 {
        %mul3A_112 = arith.constant 16 : i32
        %mul3A_113 = arith.muli %mul3A_112, %add3A_73 : i32
        %add3A_114 = arith.addi %arg1, %mul3A_113 : i32
        %mul3A_115 = arith.constant 128 : i32
        %mul3A_116 = arith.muli %add3A_114, %mul3A_115 : i32
        %add3A_117 = arith.addi %mul3A_0, %mul3A_116 : i32
        %mul3A_118 = arith.constant 128 : i32
        %mul3A_119 = arith.muli %add3A_114, %mul3A_118 : i32
        %dma_start3A_120 = tpu.memref_slice %arg3[%add3A_117] : memref<498432xi32, #tpu.memory_space<hbm>> -> memref<128xi32, #tpu.memory_space<hbm>>
        %dma_start3A_121 = tpu.memref_slice %arg3[%add3A_117] : memref<498432xi32, #tpu.memory_space<hbm>> -> memref<128xi32, #tpu.memory_space<hbm>>
        tpu.enqueue_dma source(%dma_start3A_121 : memref<128xi32, #tpu.memory_space<hbm>>) target(%arg8 : memref<128xi32, #tpu.memory_space<vmem>>) target_semaphore(%arg10 : memref<!tpu.dma_semaphore, #tpu.memory_space<semaphore_mem>>)
        %dma_start3A_122 = arith.constant 0 : i32
        %dma_start3A_123 = tpu.memref_slice %arg2[%mul3A_119, %dma_start3A_122] : memref<249216x80xf32, #tpu.memory_space<hbm>> -> memref<128x80xf32, #tpu.memory_space<hbm>>
        %dma_start3A_124 = arith.constant 0 : i32
        %dma_start3A_125 = tpu.memref_slice %arg2[%mul3A_119, %dma_start3A_124] : memref<249216x80xf32, #tpu.memory_space<hbm>> -> memref<128x80xf32, #tpu.memory_space<hbm>>
        tpu.enqueue_dma source(%dma_start3A_125 : memref<128x80xf32, #tpu.memory_space<hbm>>) target(%arg6 : memref<128x80xf32, #tpu.memory_space<vmem>>) target_semaphore(%arg10 : memref<!tpu.dma_semaphore, #tpu.memory_space<semaphore_mem>>)
      } else {
      }
      %mul3A_103 = arith.constant 16 : i32
      %mul3A_104 = arith.muli %mul3A_103, %add3A_69 : i32
      %add3A_105 = arith.addi %arg1, %mul3A_104 : i32
      %lt3A_106 = arith.constant 1947 : i32
      %lt3A_107 = arith.cmpi slt, %add3A_105, %lt3A_106 : i32
      %convert_element_type3A_108 = arith.extui %lt3A_107 : i1 to i32
      %cond3A_109 = arith.constant 0 : i32
      %cond3A_110 = arith.cmpi ne, %convert_element_type3A_108, %cond3A_109 : i32
      scf.if %cond3A_110 {
        %mul3A_112 = arith.constant 16 : i32
        %mul3A_113 = arith.muli %mul3A_112, %add3A_69 : i32
        %add3A_114 = arith.addi %arg1, %mul3A_113 : i32
        %mul3A_115 = arith.constant 128 : i32
        %mul3A_116 = arith.muli %add3A_114, %mul3A_115 : i32
        %add3A_117 = arith.addi %mul3A_0, %mul3A_116 : i32
        %mul3A_118 = arith.constant 128 : i32
        %mul3A_119 = arith.muli %add3A_114, %mul3A_118 : i32
        %dma_wait3A_120 = tpu.memref_slice %arg3[%add3A_117] : memref<498432xi32, #tpu.memory_space<hbm>> -> memref<128xi32, #tpu.memory_space<hbm>>
        %dma_wait3A_121 = tpu.memref_slice %arg3[%add3A_117] : memref<498432xi32, #tpu.memory_space<hbm>> -> memref<128xi32, #tpu.memory_space<hbm>>
        tpu.wait_dma2 semaphore(%arg11 : memref<!tpu.dma_semaphore, #tpu.memory_space<semaphore_mem>>) src(%dma_wait3A_121 : memref<128xi32, #tpu.memory_space<hbm>>) dst(%arg9 : memref<128xi32, #tpu.memory_space<vmem>>)
        %dma_wait3A_122 = arith.constant 0 : i32
        %dma_wait3A_123 = tpu.memref_slice %arg2[%mul3A_119, %dma_wait3A_122] : memref<249216x80xf32, #tpu.memory_space<hbm>> -> memref<128x80xf32, #tpu.memory_space<hbm>>
        %dma_wait3A_124 = arith.constant 0 : i32
        %dma_wait3A_125 = tpu.memref_slice %arg2[%mul3A_119, %dma_wait3A_124] : memref<249216x80xf32, #tpu.memory_space<hbm>> -> memref<128x80xf32, #tpu.memory_space<hbm>>
        tpu.wait_dma2 semaphore(%arg11 : memref<!tpu.dma_semaphore, #tpu.memory_space<semaphore_mem>>) src(%dma_wait3A_125 : memref<128x80xf32, #tpu.memory_space<hbm>>) dst(%arg7 : memref<128x80xf32, #tpu.memory_space<vmem>>)
        "tpu.region"() ({
          %run_scoped3A = tpu.sem_alloc : memref<!tpu.dma_semaphore, #tpu.memory_space<semaphore_mem>>
          %dma_start3A_126 = arith.constant 0 : i32
          %dma_start3A_127 = arith.constant 0 : i32
          %dma_start3A_128 = tpu.memref_slice %arg12[%dma_start3A_126, %dma_start3A_127] : memref<17280x80xf32, #tpu.memory_space<vmem_shared>> -> memref<17280x80xf32, #tpu.memory_space<vmem_shared>>
          tpu.enqueue_indirect_dma source(%arg7 : memref<128x80xf32, #tpu.memory_space<vmem>>) target(%dma_start3A_128 : memref<17280x80xf32, #tpu.memory_space<vmem_shared>>) offsets(%arg9 : memref<128xi32, #tpu.memory_space<vmem>>) semaphore(%run_scoped3A : memref<!tpu.dma_semaphore, #tpu.memory_space<semaphore_mem>>) {add = true}
          %dma_wait3A_129 = arith.constant 0 : i32
          %dma_wait3A_130 = arith.constant 0 : i32
          %dma_wait3A_131 = tpu.memref_slice %arg12[%dma_wait3A_129, %dma_wait3A_130] : memref<17280x80xf32, #tpu.memory_space<vmem_shared>> -> memref<17280x80xf32, #tpu.memory_space<vmem_shared>>
          tpu.wait_indirect_dma semaphore(%run_scoped3A : memref<!tpu.dma_semaphore, #tpu.memory_space<semaphore_mem>>) src(%arg7 : memref<128x80xf32, #tpu.memory_space<vmem>>) dst(%dma_wait3A_131 : memref<17280x80xf32, #tpu.memory_space<vmem_shared>>)
          tpu.yield
        }) : () -> ()
      } else {
      }
      %scan3A_111 = arith.constant 0 : i32
      scf.yield %scan3A_111 : i32
    }
    %scan3A_21 = arith.constant 61 : i32
    %barrier3A_22 = arith.constant 0 : index
    tpu.barrier barrier_id(%barrier3A_22)
    %add3A_23 = arith.constant 0 : i32
    %add3A_24 = arith.addi %arg1, %add3A_23 : i32
    %lt3A = arith.constant 81 : i32
    %lt3A_25 = arith.cmpi slt, %add3A_24, %lt3A : i32
    %convert_element_type3A = arith.extui %lt3A_25 : i1 to i32
    %cond3A = arith.constant 0 : i32
    %cond3A_26 = arith.cmpi ne, %convert_element_type3A, %cond3A : i32
    scf.if %cond3A_26 {
      %mul3A_62 = arith.constant 200 : i32
      %mul3A_63 = arith.muli %add3A_24, %mul3A_62 : i32
      %mul3A_64 = arith.constant 16200 : i32
      %mul3A_65 = arith.muli %arg0, %mul3A_64 : i32
      %mul3A_66 = arith.constant 200 : i32
      %mul3A_67 = arith.muli %add3A_24, %mul3A_66 : i32
      %add3A_68 = arith.addi %mul3A_65, %mul3A_67 : i32
      "tpu.region"() ({
        %run_scoped3A = tpu.sem_alloc : memref<!tpu.dma_semaphore, #tpu.memory_space<semaphore_mem>>
        %dma_start3A_69 = arith.constant 0 : i32
        %dma_start3A_70 = tpu.memref_slice %arg5[%add3A_68, %dma_start3A_69] : memref<32400x80xf32, #tpu.memory_space<hbm>> -> memref<200x80xf32, #tpu.memory_space<hbm>>
        %dma_start3A_71 = arith.constant 0 : i32
        %dma_start3A_72 = tpu.memref_slice %arg12[%mul3A_63, %dma_start3A_71] : memref<17280x80xf32, #tpu.memory_space<vmem_shared>> -> memref<200x80xf32, #tpu.memory_space<vmem_shared>>
        tpu.enqueue_dma source(%dma_start3A_72 : memref<200x80xf32, #tpu.memory_space<vmem_shared>>) target(%dma_start3A_70 : memref<200x80xf32, #tpu.memory_space<hbm>>) target_semaphore(%run_scoped3A : memref<!tpu.dma_semaphore, #tpu.memory_space<semaphore_mem>>)
        %dma_wait3A = arith.constant 0 : i32
        %dma_wait3A_73 = tpu.memref_slice %arg5[%add3A_68, %dma_wait3A] : memref<32400x80xf32, #tpu.memory_space<hbm>> -> memref<200x80xf32, #tpu.memory_space<hbm>>
        %dma_wait3A_74 = arith.constant 0 : i32
        %dma_wait3A_75 = tpu.memref_slice %arg12[%mul3A_63, %dma_wait3A_74] : memref<17280x80xf32, #tpu.memory_space<vmem_shared>> -> memref<200x80xf32, #tpu.memory_space<vmem_shared>>
        tpu.wait_dma2 semaphore(%run_scoped3A : memref<!tpu.dma_semaphore, #tpu.memory_space<semaphore_mem>>) src(%dma_wait3A_75 : memref<200x80xf32, #tpu.memory_space<vmem_shared>>) dst(%dma_wait3A_73 : memref<200x80xf32, #tpu.memory_space<hbm>>)
        tpu.yield
      }) : () -> ()
    } else {
    }
    %add3A_27 = arith.constant 16 : i32
    %add3A_28 = arith.addi %arg1, %add3A_27 : i32
    %lt3A_29 = arith.constant 81 : i32
    %lt3A_30 = arith.cmpi slt, %add3A_28, %lt3A_29 : i32
    %convert_element_type3A_31 = arith.extui %lt3A_30 : i1 to i32
    %cond3A_32 = arith.constant 0 : i32
    %cond3A_33 = arith.cmpi ne, %convert_element_type3A_31, %cond3A_32 : i32
    scf.if %cond3A_33 {
      %mul3A_62 = arith.constant 200 : i32
      %mul3A_63 = arith.muli %add3A_28, %mul3A_62 : i32
      %mul3A_64 = arith.constant 16200 : i32
      %mul3A_65 = arith.muli %arg0, %mul3A_64 : i32
      %mul3A_66 = arith.constant 200 : i32
      %mul3A_67 = arith.muli %add3A_28, %mul3A_66 : i32
      %add3A_68 = arith.addi %mul3A_65, %mul3A_67 : i32
      "tpu.region"() ({
        %run_scoped3A = tpu.sem_alloc : memref<!tpu.dma_semaphore, #tpu.memory_space<semaphore_mem>>
        %dma_start3A_69 = arith.constant 0 : i32
        %dma_start3A_70 = tpu.memref_slice %arg5[%add3A_68, %dma_start3A_69] : memref<32400x80xf32, #tpu.memory_space<hbm>> -> memref<200x80xf32, #tpu.memory_space<hbm>>
        %dma_start3A_71 = arith.constant 0 : i32
        %dma_start3A_72 = tpu.memref_slice %arg12[%mul3A_63, %dma_start3A_71] : memref<17280x80xf32, #tpu.memory_space<vmem_shared>> -> memref<200x80xf32, #tpu.memory_space<vmem_shared>>
        tpu.enqueue_dma source(%dma_start3A_72 : memref<200x80xf32, #tpu.memory_space<vmem_shared>>) target(%dma_start3A_70 : memref<200x80xf32, #tpu.memory_space<hbm>>) target_semaphore(%run_scoped3A : memref<!tpu.dma_semaphore, #tpu.memory_space<semaphore_mem>>)
        %dma_wait3A = arith.constant 0 : i32
        %dma_wait3A_73 = tpu.memref_slice %arg5[%add3A_68, %dma_wait3A] : memref<32400x80xf32, #tpu.memory_space<hbm>> -> memref<200x80xf32, #tpu.memory_space<hbm>>
        %dma_wait3A_74 = arith.constant 0 : i32
        %dma_wait3A_75 = tpu.memref_slice %arg12[%mul3A_63, %dma_wait3A_74] : memref<17280x80xf32, #tpu.memory_space<vmem_shared>> -> memref<200x80xf32, #tpu.memory_space<vmem_shared>>
        tpu.wait_dma2 semaphore(%run_scoped3A : memref<!tpu.dma_semaphore, #tpu.memory_space<semaphore_mem>>) src(%dma_wait3A_75 : memref<200x80xf32, #tpu.memory_space<vmem_shared>>) dst(%dma_wait3A_73 : memref<200x80xf32, #tpu.memory_space<hbm>>)
        tpu.yield
      }) : () -> ()
    } else {
    }
    %add3A_34 = arith.constant 32 : i32
    %add3A_35 = arith.addi %arg1, %add3A_34 : i32
    %lt3A_36 = arith.constant 81 : i32
    %lt3A_37 = arith.cmpi slt, %add3A_35, %lt3A_36 : i32
    %convert_element_type3A_38 = arith.extui %lt3A_37 : i1 to i32
    %cond3A_39 = arith.constant 0 : i32
    %cond3A_40 = arith.cmpi ne, %convert_element_type3A_38, %cond3A_39 : i32
    scf.if %cond3A_40 {
      %mul3A_62 = arith.constant 200 : i32
      %mul3A_63 = arith.muli %add3A_35, %mul3A_62 : i32
      %mul3A_64 = arith.constant 16200 : i32
      %mul3A_65 = arith.muli %arg0, %mul3A_64 : i32
      %mul3A_66 = arith.constant 200 : i32
      %mul3A_67 = arith.muli %add3A_35, %mul3A_66 : i32
      %add3A_68 = arith.addi %mul3A_65, %mul3A_67 : i32
      "tpu.region"() ({
        %run_scoped3A = tpu.sem_alloc : memref<!tpu.dma_semaphore, #tpu.memory_space<semaphore_mem>>
        %dma_start3A_69 = arith.constant 0 : i32
        %dma_start3A_70 = tpu.memref_slice %arg5[%add3A_68, %dma_start3A_69] : memref<32400x80xf32, #tpu.memory_space<hbm>> -> memref<200x80xf32, #tpu.memory_space<hbm>>
        %dma_start3A_71 = arith.constant 0 : i32
        %dma_start3A_72 = tpu.memref_slice %arg12[%mul3A_63, %dma_start3A_71] : memref<17280x80xf32, #tpu.memory_space<vmem_shared>> -> memref<200x80xf32, #tpu.memory_space<vmem_shared>>
        tpu.enqueue_dma source(%dma_start3A_72 : memref<200x80xf32, #tpu.memory_space<vmem_shared>>) target(%dma_start3A_70 : memref<200x80xf32, #tpu.memory_space<hbm>>) target_semaphore(%run_scoped3A : memref<!tpu.dma_semaphore, #tpu.memory_space<semaphore_mem>>)
        %dma_wait3A = arith.constant 0 : i32
        %dma_wait3A_73 = tpu.memref_slice %arg5[%add3A_68, %dma_wait3A] : memref<32400x80xf32, #tpu.memory_space<hbm>> -> memref<200x80xf32, #tpu.memory_space<hbm>>
        %dma_wait3A_74 = arith.constant 0 : i32
        %dma_wait3A_75 = tpu.memref_slice %arg12[%mul3A_63, %dma_wait3A_74] : memref<17280x80xf32, #tpu.memory_space<vmem_shared>> -> memref<200x80xf32, #tpu.memory_space<vmem_shared>>
        tpu.wait_dma2 semaphore(%run_scoped3A : memref<!tpu.dma_semaphore, #tpu.memory_space<semaphore_mem>>) src(%dma_wait3A_75 : memref<200x80xf32, #tpu.memory_space<vmem_shared>>) dst(%dma_wait3A_73 : memref<200x80xf32, #tpu.memory_space<hbm>>)
        tpu.yield
      }) : () -> ()
    } else {
    }
    %add3A_41 = arith.constant 48 : i32
    %add3A_42 = arith.addi %arg1, %add3A_41 : i32
    %lt3A_43 = arith.constant 81 : i32
    %lt3A_44 = arith.cmpi slt, %add3A_42, %lt3A_43 : i32
    %convert_element_type3A_45 = arith.extui %lt3A_44 : i1 to i32
    %cond3A_46 = arith.constant 0 : i32
    %cond3A_47 = arith.cmpi ne, %convert_element_type3A_45, %cond3A_46 : i32
    scf.if %cond3A_47 {
      %mul3A_62 = arith.constant 200 : i32
      %mul3A_63 = arith.muli %add3A_42, %mul3A_62 : i32
      %mul3A_64 = arith.constant 16200 : i32
      %mul3A_65 = arith.muli %arg0, %mul3A_64 : i32
      %mul3A_66 = arith.constant 200 : i32
      %mul3A_67 = arith.muli %add3A_42, %mul3A_66 : i32
      %add3A_68 = arith.addi %mul3A_65, %mul3A_67 : i32
      "tpu.region"() ({
        %run_scoped3A = tpu.sem_alloc : memref<!tpu.dma_semaphore, #tpu.memory_space<semaphore_mem>>
        %dma_start3A_69 = arith.constant 0 : i32
        %dma_start3A_70 = tpu.memref_slice %arg5[%add3A_68, %dma_start3A_69] : memref<32400x80xf32, #tpu.memory_space<hbm>> -> memref<200x80xf32, #tpu.memory_space<hbm>>
        %dma_start3A_71 = arith.constant 0 : i32
        %dma_start3A_72 = tpu.memref_slice %arg12[%mul3A_63, %dma_start3A_71] : memref<17280x80xf32, #tpu.memory_space<vmem_shared>> -> memref<200x80xf32, #tpu.memory_space<vmem_shared>>
        tpu.enqueue_dma source(%dma_start3A_72 : memref<200x80xf32, #tpu.memory_space<vmem_shared>>) target(%dma_start3A_70 : memref<200x80xf32, #tpu.memory_space<hbm>>) target_semaphore(%run_scoped3A : memref<!tpu.dma_semaphore, #tpu.memory_space<semaphore_mem>>)
        %dma_wait3A = arith.constant 0 : i32
        %dma_wait3A_73 = tpu.memref_slice %arg5[%add3A_68, %dma_wait3A] : memref<32400x80xf32, #tpu.memory_space<hbm>> -> memref<200x80xf32, #tpu.memory_space<hbm>>
        %dma_wait3A_74 = arith.constant 0 : i32
        %dma_wait3A_75 = tpu.memref_slice %arg12[%mul3A_63, %dma_wait3A_74] : memref<17280x80xf32, #tpu.memory_space<vmem_shared>> -> memref<200x80xf32, #tpu.memory_space<vmem_shared>>
        tpu.wait_dma2 semaphore(%run_scoped3A : memref<!tpu.dma_semaphore, #tpu.memory_space<semaphore_mem>>) src(%dma_wait3A_75 : memref<200x80xf32, #tpu.memory_space<vmem_shared>>) dst(%dma_wait3A_73 : memref<200x80xf32, #tpu.memory_space<hbm>>)
        tpu.yield
      }) : () -> ()
    } else {
    }
    %add3A_48 = arith.constant 64 : i32
    %add3A_49 = arith.addi %arg1, %add3A_48 : i32
    %lt3A_50 = arith.constant 81 : i32
    %lt3A_51 = arith.cmpi slt, %add3A_49, %lt3A_50 : i32
    %convert_element_type3A_52 = arith.extui %lt3A_51 : i1 to i32
    %cond3A_53 = arith.constant 0 : i32
    %cond3A_54 = arith.cmpi ne, %convert_element_type3A_52, %cond3A_53 : i32
    scf.if %cond3A_54 {
      %mul3A_62 = arith.constant 200 : i32
      %mul3A_63 = arith.muli %add3A_49, %mul3A_62 : i32
      %mul3A_64 = arith.constant 16200 : i32
      %mul3A_65 = arith.muli %arg0, %mul3A_64 : i32
      %mul3A_66 = arith.constant 200 : i32
      %mul3A_67 = arith.muli %add3A_49, %mul3A_66 : i32
      %add3A_68 = arith.addi %mul3A_65, %mul3A_67 : i32
      "tpu.region"() ({
        %run_scoped3A = tpu.sem_alloc : memref<!tpu.dma_semaphore, #tpu.memory_space<semaphore_mem>>
        %dma_start3A_69 = arith.constant 0 : i32
        %dma_start3A_70 = tpu.memref_slice %arg5[%add3A_68, %dma_start3A_69] : memref<32400x80xf32, #tpu.memory_space<hbm>> -> memref<200x80xf32, #tpu.memory_space<hbm>>
        %dma_start3A_71 = arith.constant 0 : i32
        %dma_start3A_72 = tpu.memref_slice %arg12[%mul3A_63, %dma_start3A_71] : memref<17280x80xf32, #tpu.memory_space<vmem_shared>> -> memref<200x80xf32, #tpu.memory_space<vmem_shared>>
        tpu.enqueue_dma source(%dma_start3A_72 : memref<200x80xf32, #tpu.memory_space<vmem_shared>>) target(%dma_start3A_70 : memref<200x80xf32, #tpu.memory_space<hbm>>) target_semaphore(%run_scoped3A : memref<!tpu.dma_semaphore, #tpu.memory_space<semaphore_mem>>)
        %dma_wait3A = arith.constant 0 : i32
        %dma_wait3A_73 = tpu.memref_slice %arg5[%add3A_68, %dma_wait3A] : memref<32400x80xf32, #tpu.memory_space<hbm>> -> memref<200x80xf32, #tpu.memory_space<hbm>>
        %dma_wait3A_74 = arith.constant 0 : i32
        %dma_wait3A_75 = tpu.memref_slice %arg12[%mul3A_63, %dma_wait3A_74] : memref<17280x80xf32, #tpu.memory_space<vmem_shared>> -> memref<200x80xf32, #tpu.memory_space<vmem_shared>>
        tpu.wait_dma2 semaphore(%run_scoped3A : memref<!tpu.dma_semaphore, #tpu.memory_space<semaphore_mem>>) src(%dma_wait3A_75 : memref<200x80xf32, #tpu.memory_space<vmem_shared>>) dst(%dma_wait3A_73 : memref<200x80xf32, #tpu.memory_space<hbm>>)
        tpu.yield
      }) : () -> ()
    } else {
    }
    %add3A_55 = arith.constant 80 : i32
    %add3A_56 = arith.addi %arg1, %add3A_55 : i32
    %lt3A_57 = arith.constant 81 : i32
    %lt3A_58 = arith.cmpi slt, %add3A_56, %lt3A_57 : i32
    %convert_element_type3A_59 = arith.extui %lt3A_58 : i1 to i32
    %cond3A_60 = arith.constant 0 : i32
    %cond3A_61 = arith.cmpi ne, %convert_element_type3A_59, %cond3A_60 : i32
    scf.if %cond3A_61 {
      %mul3A_62 = arith.constant 200 : i32
      %mul3A_63 = arith.muli %add3A_56, %mul3A_62 : i32
      %mul3A_64 = arith.constant 16200 : i32
      %mul3A_65 = arith.muli %arg0, %mul3A_64 : i32
      %mul3A_66 = arith.constant 200 : i32
      %mul3A_67 = arith.muli %add3A_56, %mul3A_66 : i32
      %add3A_68 = arith.addi %mul3A_65, %mul3A_67 : i32
      "tpu.region"() ({
        %run_scoped3A = tpu.sem_alloc : memref<!tpu.dma_semaphore, #tpu.memory_space<semaphore_mem>>
        %dma_start3A_69 = arith.constant 0 : i32
        %dma_start3A_70 = tpu.memref_slice %arg5[%add3A_68, %dma_start3A_69] : memref<32400x80xf32, #tpu.memory_space<hbm>> -> memref<200x80xf32, #tpu.memory_space<hbm>>
        %dma_start3A_71 = arith.constant 0 : i32
        %dma_start3A_72 = tpu.memref_slice %arg12[%mul3A_63, %dma_start3A_71] : memref<17280x80xf32, #tpu.memory_space<vmem_shared>> -> memref<200x80xf32, #tpu.memory_space<vmem_shared>>
        tpu.enqueue_dma source(%dma_start3A_72 : memref<200x80xf32, #tpu.memory_space<vmem_shared>>) target(%dma_start3A_70 : memref<200x80xf32, #tpu.memory_space<hbm>>) target_semaphore(%run_scoped3A : memref<!tpu.dma_semaphore, #tpu.memory_space<semaphore_mem>>)
        %dma_wait3A = arith.constant 0 : i32
        %dma_wait3A_73 = tpu.memref_slice %arg5[%add3A_68, %dma_wait3A] : memref<32400x80xf32, #tpu.memory_space<hbm>> -> memref<200x80xf32, #tpu.memory_space<hbm>>
        %dma_wait3A_74 = arith.constant 0 : i32
        %dma_wait3A_75 = tpu.memref_slice %arg12[%mul3A_63, %dma_wait3A_74] : memref<17280x80xf32, #tpu.memory_space<vmem_shared>> -> memref<200x80xf32, #tpu.memory_space<vmem_shared>>
        tpu.wait_dma2 semaphore(%run_scoped3A : memref<!tpu.dma_semaphore, #tpu.memory_space<semaphore_mem>>) src(%dma_wait3A_75 : memref<200x80xf32, #tpu.memory_space<vmem_shared>>) dst(%dma_wait3A_73 : memref<200x80xf32, #tpu.memory_space<hbm>>)
        tpu.yield
      }) : () -> ()
    } else {
    }
    return
  }
}

module attributes {stable_mosaic.version = 14 : i64} {
  func.func @_geom_idx_kernel(%arg0: i32, %arg1: memref<328x128xf32, #tpu.memory_space<vmem>>, %arg2: memref<328x128xf32, #tpu.memory_space<vmem>>, %arg3: memref<328x128xf32, #tpu.memory_space<vmem>>, %arg4: memref<6x40xf32, #tpu.memory_space<smem>>, %arg5: memref<328x128xi32, #tpu.memory_space<vmem>>, %arg6: memref<328x128xi32, #tpu.memory_space<vmem>>) attributes {dimension_semantics = [#tpu.dimension_semantics<arbitrary>], iteration_bounds = array<i64: 6>, scalar_prefetch = 0 : i64, scratch_operands = 0 : i64, tpu.core_type = #tpu.core_type<tc>, window_params = [{pipeline_mode = #tpu.pipeline_mode<synchronous>, transform_indices = @transform_0, window_bounds = array<i64: 328, 128>}, {pipeline_mode = #tpu.pipeline_mode<synchronous>, transform_indices = @transform_1, window_bounds = array<i64: 328, 128>}, {pipeline_mode = #tpu.pipeline_mode<synchronous>, transform_indices = @transform_2, window_bounds = array<i64: 328, 128>}, {transform_indices = @transform_3, window_bounds = array<i64: 6, 40>}, {transform_indices = @transform_4, window_bounds = array<i64: 328, 128>}, {transform_indices = @transform_5, window_bounds = array<i64: 328, 128>}]} {
    %get3A = arith.constant 0 : index
    %get3A_0 = arith.constant 0 : index
    %get3A_1 = vector.load %arg1[%get3A, %get3A_0] : memref<328x128xf32, #tpu.memory_space<vmem>>, vector<328x128xf32>
    %get3A_2 = arith.constant 0 : index
    %get3A_3 = arith.constant 0 : index
    %get3A_4 = vector.load %arg2[%get3A_2, %get3A_3] : memref<328x128xf32, #tpu.memory_space<vmem>>, vector<328x128xf32>
    %get3A_5 = arith.constant 0 : index
    %get3A_6 = arith.constant 0 : index
    %get3A_7 = vector.load %arg3[%get3A_5, %get3A_6] : memref<328x128xf32, #tpu.memory_space<vmem>>, vector<328x128xf32>
    %get3A_8 = arith.index_cast %arg0 : i32 to index
    %get3A_9 = arith.constant 0 : index
    %get3A_10 = memref.load %arg4[%get3A_8, %get3A_9] : memref<6x40xf32, #tpu.memory_space<smem>>
    %sub3A = vector.broadcast %get3A_10 : f32 to vector<328x128xf32>
    %sub3A_11 = arith.subf %get3A_1, %sub3A : vector<328x128xf32>
    %convert_element_type3A = arith.truncf %sub3A_11 : vector<328x128xf32> to vector<328x128xbf16>
    %convert_element_type3A_12 = arith.extf %convert_element_type3A : vector<328x128xbf16> to vector<328x128xf32>
    %get3A_13 = arith.index_cast %arg0 : i32 to index
    %get3A_14 = arith.constant 1 : index
    %get3A_15 = memref.load %arg4[%get3A_13, %get3A_14] : memref<6x40xf32, #tpu.memory_space<smem>>
    %sub3A_16 = vector.broadcast %get3A_15 : f32 to vector<328x128xf32>
    %sub3A_17 = arith.subf %get3A_4, %sub3A_16 : vector<328x128xf32>
    %convert_element_type3A_18 = arith.truncf %sub3A_17 : vector<328x128xf32> to vector<328x128xbf16>
    %convert_element_type3A_19 = arith.extf %convert_element_type3A_18 : vector<328x128xbf16> to vector<328x128xf32>
    %get3A_20 = arith.index_cast %arg0 : i32 to index
    %get3A_21 = arith.constant 2 : index
    %get3A_22 = memref.load %arg4[%get3A_20, %get3A_21] : memref<6x40xf32, #tpu.memory_space<smem>>
    %sub3A_23 = vector.broadcast %get3A_22 : f32 to vector<328x128xf32>
    %sub3A_24 = arith.subf %get3A_7, %sub3A_23 : vector<328x128xf32>
    %convert_element_type3A_25 = arith.truncf %sub3A_24 : vector<328x128xf32> to vector<328x128xbf16>
    %convert_element_type3A_26 = arith.extf %convert_element_type3A_25 : vector<328x128xbf16> to vector<328x128xf32>
    %get3A_27 = arith.index_cast %arg0 : i32 to index
    %get3A_28 = arith.constant 3 : index
    %get3A_29 = memref.load %arg4[%get3A_27, %get3A_28] : memref<6x40xf32, #tpu.memory_space<smem>>
    %broadcast_in_dim3A = vector.broadcast %get3A_29 : f32 to vector<328x128xf32>
    %convert_element_type3A_30 = arith.truncf %broadcast_in_dim3A : vector<328x128xf32> to vector<328x128xbf16>
    %convert_element_type3A_31 = arith.extf %convert_element_type3A_30 : vector<328x128xbf16> to vector<328x128xf32>
    %get3A_32 = arith.index_cast %arg0 : i32 to index
    %get3A_33 = arith.constant 4 : index
    %get3A_34 = memref.load %arg4[%get3A_32, %get3A_33] : memref<6x40xf32, #tpu.memory_space<smem>>
    %broadcast_in_dim3A_35 = vector.broadcast %get3A_34 : f32 to vector<328x128xf32>
    %convert_element_type3A_36 = arith.truncf %broadcast_in_dim3A_35 : vector<328x128xf32> to vector<328x128xbf16>
    %convert_element_type3A_37 = arith.extf %convert_element_type3A_36 : vector<328x128xbf16> to vector<328x128xf32>
    %get3A_38 = arith.index_cast %arg0 : i32 to index
    %get3A_39 = arith.constant 5 : index
    %get3A_40 = memref.load %arg4[%get3A_38, %get3A_39] : memref<6x40xf32, #tpu.memory_space<smem>>
    %broadcast_in_dim3A_41 = vector.broadcast %get3A_40 : f32 to vector<328x128xf32>
    %convert_element_type3A_42 = arith.truncf %broadcast_in_dim3A_41 : vector<328x128xf32> to vector<328x128xbf16>
    %convert_element_type3A_43 = arith.extf %convert_element_type3A_42 : vector<328x128xbf16> to vector<328x128xf32>
    %get3A_44 = arith.index_cast %arg0 : i32 to index
    %get3A_45 = arith.constant 6 : index
    %get3A_46 = memref.load %arg4[%get3A_44, %get3A_45] : memref<6x40xf32, #tpu.memory_space<smem>>
    %broadcast_in_dim3A_47 = vector.broadcast %get3A_46 : f32 to vector<328x128xf32>
    %convert_element_type3A_48 = arith.truncf %broadcast_in_dim3A_47 : vector<328x128xf32> to vector<328x128xbf16>
    %convert_element_type3A_49 = arith.extf %convert_element_type3A_48 : vector<328x128xbf16> to vector<328x128xf32>
    %get3A_50 = arith.index_cast %arg0 : i32 to index
    %get3A_51 = arith.constant 7 : index
    %get3A_52 = memref.load %arg4[%get3A_50, %get3A_51] : memref<6x40xf32, #tpu.memory_space<smem>>
    %broadcast_in_dim3A_53 = vector.broadcast %get3A_52 : f32 to vector<328x128xf32>
    %convert_element_type3A_54 = arith.truncf %broadcast_in_dim3A_53 : vector<328x128xf32> to vector<328x128xbf16>
    %convert_element_type3A_55 = arith.extf %convert_element_type3A_54 : vector<328x128xbf16> to vector<328x128xf32>
    %get3A_56 = arith.index_cast %arg0 : i32 to index
    %get3A_57 = arith.constant 8 : index
    %get3A_58 = memref.load %arg4[%get3A_56, %get3A_57] : memref<6x40xf32, #tpu.memory_space<smem>>
    %broadcast_in_dim3A_59 = vector.broadcast %get3A_58 : f32 to vector<328x128xf32>
    %convert_element_type3A_60 = arith.truncf %broadcast_in_dim3A_59 : vector<328x128xf32> to vector<328x128xbf16>
    %convert_element_type3A_61 = arith.extf %convert_element_type3A_60 : vector<328x128xbf16> to vector<328x128xf32>
    %get3A_62 = arith.index_cast %arg0 : i32 to index
    %get3A_63 = arith.constant 9 : index
    %get3A_64 = memref.load %arg4[%get3A_62, %get3A_63] : memref<6x40xf32, #tpu.memory_space<smem>>
    %broadcast_in_dim3A_65 = vector.broadcast %get3A_64 : f32 to vector<328x128xf32>
    %convert_element_type3A_66 = arith.truncf %broadcast_in_dim3A_65 : vector<328x128xf32> to vector<328x128xbf16>
    %convert_element_type3A_67 = arith.extf %convert_element_type3A_66 : vector<328x128xbf16> to vector<328x128xf32>
    %get3A_68 = arith.index_cast %arg0 : i32 to index
    %get3A_69 = arith.constant 10 : index
    %get3A_70 = memref.load %arg4[%get3A_68, %get3A_69] : memref<6x40xf32, #tpu.memory_space<smem>>
    %broadcast_in_dim3A_71 = vector.broadcast %get3A_70 : f32 to vector<328x128xf32>
    %convert_element_type3A_72 = arith.truncf %broadcast_in_dim3A_71 : vector<328x128xf32> to vector<328x128xbf16>
    %convert_element_type3A_73 = arith.extf %convert_element_type3A_72 : vector<328x128xbf16> to vector<328x128xf32>
    %get3A_74 = arith.index_cast %arg0 : i32 to index
    %get3A_75 = arith.constant 11 : index
    %get3A_76 = memref.load %arg4[%get3A_74, %get3A_75] : memref<6x40xf32, #tpu.memory_space<smem>>
    %broadcast_in_dim3A_77 = vector.broadcast %get3A_76 : f32 to vector<328x128xf32>
    %convert_element_type3A_78 = arith.truncf %broadcast_in_dim3A_77 : vector<328x128xf32> to vector<328x128xbf16>
    %convert_element_type3A_79 = arith.extf %convert_element_type3A_78 : vector<328x128xbf16> to vector<328x128xf32>
    %mul3A = arith.mulf %convert_element_type3A_31, %convert_element_type3A_12 : vector<328x128xf32>
    %mul3A_80 = arith.mulf %convert_element_type3A_37, %convert_element_type3A_19 : vector<328x128xf32>
    %add3A = arith.addf %mul3A, %mul3A_80 : vector<328x128xf32>
    %mul3A_81 = arith.mulf %convert_element_type3A_43, %convert_element_type3A_26 : vector<328x128xf32>
    %add3A_82 = arith.addf %add3A, %mul3A_81 : vector<328x128xf32>
    %mul3A_83 = arith.mulf %convert_element_type3A_49, %convert_element_type3A_12 : vector<328x128xf32>
    %mul3A_84 = arith.mulf %convert_element_type3A_55, %convert_element_type3A_19 : vector<328x128xf32>
    %add3A_85 = arith.addf %mul3A_83, %mul3A_84 : vector<328x128xf32>
    %mul3A_86 = arith.mulf %convert_element_type3A_61, %convert_element_type3A_26 : vector<328x128xf32>
    %add3A_87 = arith.addf %add3A_85, %mul3A_86 : vector<328x128xf32>
    %mul3A_88 = arith.mulf %convert_element_type3A_67, %convert_element_type3A_12 : vector<328x128xf32>
    %mul3A_89 = arith.mulf %convert_element_type3A_73, %convert_element_type3A_19 : vector<328x128xf32>
    %add3A_90 = arith.addf %mul3A_88, %mul3A_89 : vector<328x128xf32>
    %mul3A_91 = arith.mulf %convert_element_type3A_79, %convert_element_type3A_26 : vector<328x128xf32>
    %add3A_92 = arith.addf %add3A_90, %mul3A_91 : vector<328x128xf32>
    %mul3A_93 = arith.mulf %add3A_82, %add3A_92 : vector<328x128xf32>
    %convert_element_type3A_94 = arith.truncf %mul3A_93 : vector<328x128xf32> to vector<328x128xbf16>
    %convert_element_type3A_95 = arith.extf %convert_element_type3A_94 : vector<328x128xbf16> to vector<328x128xf32>
    %mul3A_96 = arith.mulf %add3A_87, %add3A_92 : vector<328x128xf32>
    %convert_element_type3A_97 = arith.truncf %mul3A_96 : vector<328x128xf32> to vector<328x128xbf16>
    %convert_element_type3A_98 = arith.extf %convert_element_type3A_97 : vector<328x128xbf16> to vector<328x128xf32>
    %convert_element_type3A_99 = arith.truncf %add3A_92 : vector<328x128xf32> to vector<328x128xbf16>
    %convert_element_type3A_100 = arith.extf %convert_element_type3A_99 : vector<328x128xbf16> to vector<328x128xf32>
    %get3A_101 = arith.index_cast %arg0 : i32 to index
    %get3A_102 = arith.constant 12 : index
    %get3A_103 = memref.load %arg4[%get3A_101, %get3A_102] : memref<6x40xf32, #tpu.memory_space<smem>>
    %broadcast_in_dim3A_104 = vector.broadcast %get3A_103 : f32 to vector<328x128xf32>
    %convert_element_type3A_105 = arith.truncf %broadcast_in_dim3A_104 : vector<328x128xf32> to vector<328x128xbf16>
    %convert_element_type3A_106 = arith.extf %convert_element_type3A_105 : vector<328x128xbf16> to vector<328x128xf32>
    %get3A_107 = arith.index_cast %arg0 : i32 to index
    %get3A_108 = arith.constant 13 : index
    %get3A_109 = memref.load %arg4[%get3A_107, %get3A_108] : memref<6x40xf32, #tpu.memory_space<smem>>
    %broadcast_in_dim3A_110 = vector.broadcast %get3A_109 : f32 to vector<328x128xf32>
    %convert_element_type3A_111 = arith.truncf %broadcast_in_dim3A_110 : vector<328x128xf32> to vector<328x128xbf16>
    %convert_element_type3A_112 = arith.extf %convert_element_type3A_111 : vector<328x128xbf16> to vector<328x128xf32>
    %get3A_113 = arith.index_cast %arg0 : i32 to index
    %get3A_114 = arith.constant 14 : index
    %get3A_115 = memref.load %arg4[%get3A_113, %get3A_114] : memref<6x40xf32, #tpu.memory_space<smem>>
    %broadcast_in_dim3A_116 = vector.broadcast %get3A_115 : f32 to vector<328x128xf32>
    %convert_element_type3A_117 = arith.truncf %broadcast_in_dim3A_116 : vector<328x128xf32> to vector<328x128xbf16>
    %convert_element_type3A_118 = arith.extf %convert_element_type3A_117 : vector<328x128xbf16> to vector<328x128xf32>
    %get3A_119 = arith.index_cast %arg0 : i32 to index
    %get3A_120 = arith.constant 15 : index
    %get3A_121 = memref.load %arg4[%get3A_119, %get3A_120] : memref<6x40xf32, #tpu.memory_space<smem>>
    %broadcast_in_dim3A_122 = vector.broadcast %get3A_121 : f32 to vector<328x128xf32>
    %convert_element_type3A_123 = arith.truncf %broadcast_in_dim3A_122 : vector<328x128xf32> to vector<328x128xbf16>
    %convert_element_type3A_124 = arith.extf %convert_element_type3A_123 : vector<328x128xbf16> to vector<328x128xf32>
    %get3A_125 = arith.index_cast %arg0 : i32 to index
    %get3A_126 = arith.constant 16 : index
    %get3A_127 = memref.load %arg4[%get3A_125, %get3A_126] : memref<6x40xf32, #tpu.memory_space<smem>>
    %broadcast_in_dim3A_128 = vector.broadcast %get3A_127 : f32 to vector<328x128xf32>
    %convert_element_type3A_129 = arith.truncf %broadcast_in_dim3A_128 : vector<328x128xf32> to vector<328x128xbf16>
    %convert_element_type3A_130 = arith.extf %convert_element_type3A_129 : vector<328x128xbf16> to vector<328x128xf32>
    %get3A_131 = arith.index_cast %arg0 : i32 to index
    %get3A_132 = arith.constant 17 : index
    %get3A_133 = memref.load %arg4[%get3A_131, %get3A_132] : memref<6x40xf32, #tpu.memory_space<smem>>
    %broadcast_in_dim3A_134 = vector.broadcast %get3A_133 : f32 to vector<328x128xf32>
    %convert_element_type3A_135 = arith.truncf %broadcast_in_dim3A_134 : vector<328x128xf32> to vector<328x128xbf16>
    %convert_element_type3A_136 = arith.extf %convert_element_type3A_135 : vector<328x128xbf16> to vector<328x128xf32>
    %get3A_137 = arith.index_cast %arg0 : i32 to index
    %get3A_138 = arith.constant 18 : index
    %get3A_139 = memref.load %arg4[%get3A_137, %get3A_138] : memref<6x40xf32, #tpu.memory_space<smem>>
    %broadcast_in_dim3A_140 = vector.broadcast %get3A_139 : f32 to vector<328x128xf32>
    %convert_element_type3A_141 = arith.truncf %broadcast_in_dim3A_140 : vector<328x128xf32> to vector<328x128xbf16>
    %convert_element_type3A_142 = arith.extf %convert_element_type3A_141 : vector<328x128xbf16> to vector<328x128xf32>
    %get3A_143 = arith.index_cast %arg0 : i32 to index
    %get3A_144 = arith.constant 19 : index
    %get3A_145 = memref.load %arg4[%get3A_143, %get3A_144] : memref<6x40xf32, #tpu.memory_space<smem>>
    %broadcast_in_dim3A_146 = vector.broadcast %get3A_145 : f32 to vector<328x128xf32>
    %convert_element_type3A_147 = arith.truncf %broadcast_in_dim3A_146 : vector<328x128xf32> to vector<328x128xbf16>
    %convert_element_type3A_148 = arith.extf %convert_element_type3A_147 : vector<328x128xbf16> to vector<328x128xf32>
    %get3A_149 = arith.index_cast %arg0 : i32 to index
    %get3A_150 = arith.constant 20 : index
    %get3A_151 = memref.load %arg4[%get3A_149, %get3A_150] : memref<6x40xf32, #tpu.memory_space<smem>>
    %broadcast_in_dim3A_152 = vector.broadcast %get3A_151 : f32 to vector<328x128xf32>
    %convert_element_type3A_153 = arith.truncf %broadcast_in_dim3A_152 : vector<328x128xf32> to vector<328x128xbf16>
    %convert_element_type3A_154 = arith.extf %convert_element_type3A_153 : vector<328x128xbf16> to vector<328x128xf32>
    %mul3A_155 = arith.mulf %convert_element_type3A_106, %convert_element_type3A_95 : vector<328x128xf32>
    %mul3A_156 = arith.mulf %convert_element_type3A_112, %convert_element_type3A_98 : vector<328x128xf32>
    %add3A_157 = arith.addf %mul3A_155, %mul3A_156 : vector<328x128xf32>
    %mul3A_158 = arith.mulf %convert_element_type3A_118, %convert_element_type3A_100 : vector<328x128xf32>
    %add3A_159 = arith.addf %add3A_157, %mul3A_158 : vector<328x128xf32>
    %mul3A_160 = arith.mulf %convert_element_type3A_124, %convert_element_type3A_95 : vector<328x128xf32>
    %mul3A_161 = arith.mulf %convert_element_type3A_130, %convert_element_type3A_98 : vector<328x128xf32>
    %add3A_162 = arith.addf %mul3A_160, %mul3A_161 : vector<328x128xf32>
    %mul3A_163 = arith.mulf %convert_element_type3A_136, %convert_element_type3A_100 : vector<328x128xf32>
    %add3A_164 = arith.addf %add3A_162, %mul3A_163 : vector<328x128xf32>
    %mul3A_165 = arith.mulf %convert_element_type3A_142, %convert_element_type3A_95 : vector<328x128xf32>
    %mul3A_166 = arith.mulf %convert_element_type3A_148, %convert_element_type3A_98 : vector<328x128xf32>
    %add3A_167 = arith.addf %mul3A_165, %mul3A_166 : vector<328x128xf32>
    %mul3A_168 = arith.mulf %convert_element_type3A_154, %convert_element_type3A_100 : vector<328x128xf32>
    %add3A_169 = arith.addf %add3A_167, %mul3A_168 : vector<328x128xf32>
    %get3A_170 = arith.index_cast %arg0 : i32 to index
    %get3A_171 = arith.constant 21 : index
    %get3A_172 = memref.load %arg4[%get3A_170, %get3A_171] : memref<6x40xf32, #tpu.memory_space<smem>>
    %add3A_173 = vector.broadcast %get3A_172 : f32 to vector<328x128xf32>
    %add3A_174 = arith.addf %add3A_159, %add3A_173 : vector<328x128xf32>
    %convert_element_type3A_175 = arith.truncf %add3A_174 : vector<328x128xf32> to vector<328x128xbf16>
    %convert_element_type3A_176 = arith.extf %convert_element_type3A_175 : vector<328x128xbf16> to vector<328x128xf32>
    %get3A_177 = arith.index_cast %arg0 : i32 to index
    %get3A_178 = arith.constant 22 : index
    %get3A_179 = memref.load %arg4[%get3A_177, %get3A_178] : memref<6x40xf32, #tpu.memory_space<smem>>
    %add3A_180 = vector.broadcast %get3A_179 : f32 to vector<328x128xf32>
    %add3A_181 = arith.addf %add3A_164, %add3A_180 : vector<328x128xf32>
    %convert_element_type3A_182 = arith.truncf %add3A_181 : vector<328x128xf32> to vector<328x128xbf16>
    %convert_element_type3A_183 = arith.extf %convert_element_type3A_182 : vector<328x128xbf16> to vector<328x128xf32>
    %get3A_184 = arith.index_cast %arg0 : i32 to index
    %get3A_185 = arith.constant 23 : index
    %get3A_186 = memref.load %arg4[%get3A_184, %get3A_185] : memref<6x40xf32, #tpu.memory_space<smem>>
    %add3A_187 = vector.broadcast %get3A_186 : f32 to vector<328x128xf32>
    %add3A_188 = arith.addf %add3A_169, %add3A_187 : vector<328x128xf32>
    %convert_element_type3A_189 = arith.truncf %add3A_188 : vector<328x128xf32> to vector<328x128xbf16>
    %convert_element_type3A_190 = arith.extf %convert_element_type3A_189 : vector<328x128xbf16> to vector<328x128xf32>
    %get3A_191 = arith.index_cast %arg0 : i32 to index
    %get3A_192 = arith.constant 24 : index
    %get3A_193 = memref.load %arg4[%get3A_191, %get3A_192] : memref<6x40xf32, #tpu.memory_space<smem>>
    %broadcast_in_dim3A_194 = vector.broadcast %get3A_193 : f32 to vector<328x128xf32>
    %convert_element_type3A_195 = arith.truncf %broadcast_in_dim3A_194 : vector<328x128xf32> to vector<328x128xbf16>
    %convert_element_type3A_196 = arith.extf %convert_element_type3A_195 : vector<328x128xbf16> to vector<328x128xf32>
    %get3A_197 = arith.index_cast %arg0 : i32 to index
    %get3A_198 = arith.constant 25 : index
    %get3A_199 = memref.load %arg4[%get3A_197, %get3A_198] : memref<6x40xf32, #tpu.memory_space<smem>>
    %broadcast_in_dim3A_200 = vector.broadcast %get3A_199 : f32 to vector<328x128xf32>
    %convert_element_type3A_201 = arith.truncf %broadcast_in_dim3A_200 : vector<328x128xf32> to vector<328x128xbf16>
    %convert_element_type3A_202 = arith.extf %convert_element_type3A_201 : vector<328x128xbf16> to vector<328x128xf32>
    %get3A_203 = arith.index_cast %arg0 : i32 to index
    %get3A_204 = arith.constant 26 : index
    %get3A_205 = memref.load %arg4[%get3A_203, %get3A_204] : memref<6x40xf32, #tpu.memory_space<smem>>
    %broadcast_in_dim3A_206 = vector.broadcast %get3A_205 : f32 to vector<328x128xf32>
    %convert_element_type3A_207 = arith.truncf %broadcast_in_dim3A_206 : vector<328x128xf32> to vector<328x128xbf16>
    %convert_element_type3A_208 = arith.extf %convert_element_type3A_207 : vector<328x128xbf16> to vector<328x128xf32>
    %get3A_209 = arith.index_cast %arg0 : i32 to index
    %get3A_210 = arith.constant 27 : index
    %get3A_211 = memref.load %arg4[%get3A_209, %get3A_210] : memref<6x40xf32, #tpu.memory_space<smem>>
    %broadcast_in_dim3A_212 = vector.broadcast %get3A_211 : f32 to vector<328x128xf32>
    %convert_element_type3A_213 = arith.truncf %broadcast_in_dim3A_212 : vector<328x128xf32> to vector<328x128xbf16>
    %convert_element_type3A_214 = arith.extf %convert_element_type3A_213 : vector<328x128xbf16> to vector<328x128xf32>
    %get3A_215 = arith.index_cast %arg0 : i32 to index
    %get3A_216 = arith.constant 28 : index
    %get3A_217 = memref.load %arg4[%get3A_215, %get3A_216] : memref<6x40xf32, #tpu.memory_space<smem>>
    %broadcast_in_dim3A_218 = vector.broadcast %get3A_217 : f32 to vector<328x128xf32>
    %convert_element_type3A_219 = arith.truncf %broadcast_in_dim3A_218 : vector<328x128xf32> to vector<328x128xbf16>
    %convert_element_type3A_220 = arith.extf %convert_element_type3A_219 : vector<328x128xbf16> to vector<328x128xf32>
    %get3A_221 = arith.index_cast %arg0 : i32 to index
    %get3A_222 = arith.constant 29 : index
    %get3A_223 = memref.load %arg4[%get3A_221, %get3A_222] : memref<6x40xf32, #tpu.memory_space<smem>>
    %broadcast_in_dim3A_224 = vector.broadcast %get3A_223 : f32 to vector<328x128xf32>
    %convert_element_type3A_225 = arith.truncf %broadcast_in_dim3A_224 : vector<328x128xf32> to vector<328x128xbf16>
    %convert_element_type3A_226 = arith.extf %convert_element_type3A_225 : vector<328x128xbf16> to vector<328x128xf32>
    %get3A_227 = arith.index_cast %arg0 : i32 to index
    %get3A_228 = arith.constant 30 : index
    %get3A_229 = memref.load %arg4[%get3A_227, %get3A_228] : memref<6x40xf32, #tpu.memory_space<smem>>
    %broadcast_in_dim3A_230 = vector.broadcast %get3A_229 : f32 to vector<328x128xf32>
    %convert_element_type3A_231 = arith.truncf %broadcast_in_dim3A_230 : vector<328x128xf32> to vector<328x128xbf16>
    %convert_element_type3A_232 = arith.extf %convert_element_type3A_231 : vector<328x128xbf16> to vector<328x128xf32>
    %get3A_233 = arith.index_cast %arg0 : i32 to index
    %get3A_234 = arith.constant 31 : index
    %get3A_235 = memref.load %arg4[%get3A_233, %get3A_234] : memref<6x40xf32, #tpu.memory_space<smem>>
    %broadcast_in_dim3A_236 = vector.broadcast %get3A_235 : f32 to vector<328x128xf32>
    %convert_element_type3A_237 = arith.truncf %broadcast_in_dim3A_236 : vector<328x128xf32> to vector<328x128xbf16>
    %convert_element_type3A_238 = arith.extf %convert_element_type3A_237 : vector<328x128xbf16> to vector<328x128xf32>
    %get3A_239 = arith.index_cast %arg0 : i32 to index
    %get3A_240 = arith.constant 32 : index
    %get3A_241 = memref.load %arg4[%get3A_239, %get3A_240] : memref<6x40xf32, #tpu.memory_space<smem>>
    %broadcast_in_dim3A_242 = vector.broadcast %get3A_241 : f32 to vector<328x128xf32>
    %convert_element_type3A_243 = arith.truncf %broadcast_in_dim3A_242 : vector<328x128xf32> to vector<328x128xbf16>
    %convert_element_type3A_244 = arith.extf %convert_element_type3A_243 : vector<328x128xbf16> to vector<328x128xf32>
    %mul3A_245 = arith.mulf %convert_element_type3A_196, %convert_element_type3A_176 : vector<328x128xf32>
    %mul3A_246 = arith.mulf %convert_element_type3A_202, %convert_element_type3A_183 : vector<328x128xf32>
    %add3A_247 = arith.addf %mul3A_245, %mul3A_246 : vector<328x128xf32>
    %mul3A_248 = arith.mulf %convert_element_type3A_208, %convert_element_type3A_190 : vector<328x128xf32>
    %add3A_249 = arith.addf %add3A_247, %mul3A_248 : vector<328x128xf32>
    %mul3A_250 = arith.mulf %convert_element_type3A_214, %convert_element_type3A_176 : vector<328x128xf32>
    %mul3A_251 = arith.mulf %convert_element_type3A_220, %convert_element_type3A_183 : vector<328x128xf32>
    %add3A_252 = arith.addf %mul3A_250, %mul3A_251 : vector<328x128xf32>
    %mul3A_253 = arith.mulf %convert_element_type3A_226, %convert_element_type3A_190 : vector<328x128xf32>
    %add3A_254 = arith.addf %add3A_252, %mul3A_253 : vector<328x128xf32>
    %mul3A_255 = arith.mulf %convert_element_type3A_232, %convert_element_type3A_176 : vector<328x128xf32>
    %mul3A_256 = arith.mulf %convert_element_type3A_238, %convert_element_type3A_183 : vector<328x128xf32>
    %add3A_257 = arith.addf %mul3A_255, %mul3A_256 : vector<328x128xf32>
    %mul3A_258 = arith.mulf %convert_element_type3A_244, %convert_element_type3A_190 : vector<328x128xf32>
    %add3A_259 = arith.addf %add3A_257, %mul3A_258 : vector<328x128xf32>
    %get3A_260 = arith.index_cast %arg0 : i32 to index
    %get3A_261 = arith.constant 33 : index
    %get3A_262 = memref.load %arg4[%get3A_260, %get3A_261] : memref<6x40xf32, #tpu.memory_space<smem>>
    %add3A_263 = vector.broadcast %get3A_262 : f32 to vector<328x128xf32>
    %add3A_264 = arith.addf %add3A_249, %add3A_263 : vector<328x128xf32>
    %get3A_265 = arith.index_cast %arg0 : i32 to index
    %get3A_266 = arith.constant 34 : index
    %get3A_267 = memref.load %arg4[%get3A_265, %get3A_266] : memref<6x40xf32, #tpu.memory_space<smem>>
    %add3A_268 = vector.broadcast %get3A_267 : f32 to vector<328x128xf32>
    %add3A_269 = arith.addf %add3A_254, %add3A_268 : vector<328x128xf32>
    %get3A_270 = arith.index_cast %arg0 : i32 to index
    %get3A_271 = arith.constant 35 : index
    %get3A_272 = memref.load %arg4[%get3A_270, %get3A_271] : memref<6x40xf32, #tpu.memory_space<smem>>
    %add3A_273 = vector.broadcast %get3A_272 : f32 to vector<328x128xf32>
    %add3A_274 = arith.addf %add3A_259, %add3A_273 : vector<328x128xf32>
    %sub3A_275 = arith.constant -5.400000e+01 : f32
    %sub3A_276 = vector.broadcast %sub3A_275 : f32 to vector<328x128xf32>
    %sub3A_277 = arith.subf %add3A_264, %sub3A_276 : vector<328x128xf32>
    %div3A = arith.constant 6.000000e-01 : f32
    %div3A_278 = vector.broadcast %div3A : f32 to vector<328x128xf32>
    %div3A_279 = arith.divf %sub3A_277, %div3A_278 : vector<328x128xf32>
    %convert_element_type3A_280 = arith.fptosi %div3A_279 : vector<328x128xf32> to vector<328x128xi32>
    %sub3A_281 = arith.constant -5.400000e+01 : f32
    %sub3A_282 = vector.broadcast %sub3A_281 : f32 to vector<328x128xf32>
    %sub3A_283 = arith.subf %add3A_269, %sub3A_282 : vector<328x128xf32>
    %div3A_284 = arith.constant 6.000000e-01 : f32
    %div3A_285 = vector.broadcast %div3A_284 : f32 to vector<328x128xf32>
    %div3A_286 = arith.divf %sub3A_283, %div3A_285 : vector<328x128xf32>
    %convert_element_type3A_287 = arith.fptosi %div3A_286 : vector<328x128xf32> to vector<328x128xi32>
    %sub3A_288 = arith.constant -1.000000e+01 : f32
    %sub3A_289 = vector.broadcast %sub3A_288 : f32 to vector<328x128xf32>
    %sub3A_290 = arith.subf %add3A_274, %sub3A_289 : vector<328x128xf32>
    %div3A_291 = arith.constant 2.000000e+01 : f32
    %div3A_292 = vector.broadcast %div3A_291 : f32 to vector<328x128xf32>
    %div3A_293 = arith.divf %sub3A_290, %div3A_292 : vector<328x128xf32>
    %convert_element_type3A_294 = arith.fptosi %div3A_293 : vector<328x128xf32> to vector<328x128xi32>
    %ge3A = arith.constant 0 : i32
    %ge3A_295 = vector.broadcast %ge3A : i32 to vector<328x128xi32>
    %ge3A_296 = arith.cmpi sge, %convert_element_type3A_280, %ge3A_295 : vector<328x128xi32>
    %lt3A = arith.constant 180 : i32
    %lt3A_297 = vector.broadcast %lt3A : i32 to vector<328x128xi32>
    %lt3A_298 = arith.cmpi slt, %convert_element_type3A_280, %lt3A_297 : vector<328x128xi32>
    %and3A = arith.andi %ge3A_296, %lt3A_298 : vector<328x128xi1>
    %ge3A_299 = arith.constant 0 : i32
    %ge3A_300 = vector.broadcast %ge3A_299 : i32 to vector<328x128xi32>
    %ge3A_301 = arith.cmpi sge, %convert_element_type3A_287, %ge3A_300 : vector<328x128xi32>
    %and3A_302 = arith.andi %and3A, %ge3A_301 : vector<328x128xi1>
    %lt3A_303 = arith.constant 180 : i32
    %lt3A_304 = vector.broadcast %lt3A_303 : i32 to vector<328x128xi32>
    %lt3A_305 = arith.cmpi slt, %convert_element_type3A_287, %lt3A_304 : vector<328x128xi32>
    %and3A_306 = arith.andi %and3A_302, %lt3A_305 : vector<328x128xi1>
    %ge3A_307 = arith.constant 0 : i32
    %ge3A_308 = vector.broadcast %ge3A_307 : i32 to vector<328x128xi32>
    %ge3A_309 = arith.cmpi sge, %convert_element_type3A_294, %ge3A_308 : vector<328x128xi32>
    %and3A_310 = arith.andi %and3A_306, %ge3A_309 : vector<328x128xi1>
    %lt3A_311 = arith.constant 1 : i32
    %lt3A_312 = vector.broadcast %lt3A_311 : i32 to vector<328x128xi32>
    %lt3A_313 = arith.cmpi slt, %convert_element_type3A_294, %lt3A_312 : vector<328x128xi32>
    %and3A_314 = arith.andi %and3A_310, %lt3A_313 : vector<328x128xi1>
    %mul3A_315 = arith.constant 180 : i32
    %mul3A_316 = vector.broadcast %mul3A_315 : i32 to vector<328x128xi32>
    %mul3A_317 = arith.muli %convert_element_type3A_280, %mul3A_316 : vector<328x128xi32>
    %add3A_318 = arith.addi %mul3A_317, %convert_element_type3A_287 : vector<328x128xi32>
    %iota3A = tpu.iota {dimensions = array<i32: 0>} : vector<328x128xi32>
    %iota3A_319 = tpu.iota {dimensions = array<i32: 1>} : vector<328x128xi32>
    %mul3A_320 = arith.constant 328 : i32
    %mul3A_321 = arith.muli %arg0, %mul3A_320 : i32
    %add3A_322 = vector.broadcast %mul3A_321 : i32 to vector<328x128xi32>
    %add3A_323 = arith.addi %add3A_322, %iota3A : vector<328x128xi32>
    %mul3A_324 = arith.constant 128 : i32
    %mul3A_325 = vector.broadcast %mul3A_324 : i32 to vector<328x128xi32>
    %mul3A_326 = arith.muli %add3A_323, %mul3A_325 : vector<328x128xi32>
    %add3A_327 = arith.addi %mul3A_326, %iota3A_319 : vector<328x128xi32>
    %and3A_328 = arith.constant 1023 : i32
    %and3A_329 = vector.broadcast %and3A_328 : i32 to vector<328x128xi32>
    %and3A_330 = arith.andi %add3A_327, %and3A_329 : vector<328x128xi32>
    %add3A_331 = arith.constant 16200 : i32
    %add3A_332 = vector.broadcast %add3A_331 : i32 to vector<328x128xi32>
    %add3A_333 = arith.addi %add3A_332, %and3A_330 : vector<328x128xi32>
    %lt3A_334 = arith.constant 16200 : i32
    %lt3A_335 = vector.broadcast %lt3A_334 : i32 to vector<328x128xi32>
    %lt3A_336 = arith.cmpi slt, %add3A_318, %lt3A_335 : vector<328x128xi32>
    %and3A_337 = arith.andi %and3A_314, %lt3A_336 : vector<328x128xi1>
    %select_n3A = arith.select %and3A_337, %add3A_318, %add3A_333 : vector<328x128xi1>, vector<328x128xi32>
    %swap3A = arith.constant 0 : index
    %swap3A_338 = arith.constant 0 : index
    %swap3A_339 = vector.load %arg5[%swap3A, %swap3A_338] : memref<328x128xi32, #tpu.memory_space<vmem>>, vector<328x128xi32>
    tpu.vector_store %arg5[%swap3A, %swap3A_338], %select_n3A {strides = array<i32>} : memref<328x128xi32, #tpu.memory_space<vmem>>, vector<328x128xi32>,
    %ge3A_340 = arith.constant 16200 : i32
    %ge3A_341 = vector.broadcast %ge3A_340 : i32 to vector<328x128xi32>
    %ge3A_342 = arith.cmpi sge, %add3A_318, %ge3A_341 : vector<328x128xi32>
    %and3A_343 = arith.andi %and3A_314, %ge3A_342 : vector<328x128xi1>
    %sub3A_344 = arith.constant 16200 : i32
    %sub3A_345 = vector.broadcast %sub3A_344 : i32 to vector<328x128xi32>
    %sub3A_346 = arith.subi %add3A_318, %sub3A_345 : vector<328x128xi32>
    %select_n3A_347 = arith.select %and3A_343, %sub3A_346, %add3A_333 : vector<328x128xi1>, vector<328x128xi32>
    %swap3A_348 = arith.constant 0 : index
    %swap3A_349 = arith.constant 0 : index
    %swap3A_350 = vector.load %arg6[%swap3A_348, %swap3A_349] : memref<328x128xi32, #tpu.memory_space<vmem>>, vector<328x128xi32>
    tpu.vector_store %arg6[%swap3A_348, %swap3A_349], %select_n3A_347 {strides = array<i32>} : memref<328x128xi32, #tpu.memory_space<vmem>>, vector<328x128xi32>,
    return
  }
  func.func @transform_0(%arg0: i32) -> (i32, i32) {
    %c0_i32 = arith.constant 0 : i32
    %c0_i32_0 = arith.constant 0 : i32
    %c0_i32_1 = arith.constant 0 : i32
    return %c0_i32, %c0_i32_0 : i32, i32
  }
  func.func @transform_1(%arg0: i32) -> (i32, i32) {
    %c0_i32 = arith.constant 0 : i32
    %c0_i32_0 = arith.constant 0 : i32
    %c0_i32_1 = arith.constant 0 : i32
    return %c0_i32, %c0_i32_0 : i32, i32
  }
  func.func @transform_2(%arg0: i32) -> (i32, i32) {
    %c0_i32 = arith.constant 0 : i32
    %c0_i32_0 = arith.constant 0 : i32
    %c0_i32_1 = arith.constant 0 : i32
    return %c0_i32, %c0_i32_0 : i32, i32
  }
  func.func @transform_3(%arg0: i32) -> (i32, i32) {
    %c0_i32 = arith.constant 0 : i32
    %c0_i32_0 = arith.constant 0 : i32
    %c0_i32_1 = arith.constant 0 : i32
    return %c0_i32, %c0_i32_0 : i32, i32
  }
  func.func @transform_4(%arg0: i32) -> (i32, i32) {
    %c0_i32 = arith.constant 0 : i32
    %c0_i32_0 = arith.constant 0 : i32
    return %arg0, %c0_i32 : i32, i32
  }
  func.func @transform_5(%arg0: i32) -> (i32, i32) {
    %c0_i32 = arith.constant 0 : i32
    %c0_i32_0 = arith.constant 0 : i32
    return %arg0, %c0_i32 : i32, i32
  }
}

</mosaic_0001>

<sc_bundles>
// kernel: kernel.4.cloned.1.call-start
scs
__scs_entry_jumppad:
0x0: {  	(pc) =	sbr.rel $0x88, $3  }
0x1: {  	(tag) =	ssettag $0x0;
	lr =	simm.s32 $0x1  }
0x2: {  	[smem:$0x3F9C] =	sst lr;
	_ =	strace $0xD0000000  }
0x3: {  	_ = 	snop  }
0x4: {  	_ = 	snop  }
0x5: {  	_ = 	snop  }
0x6: {  	_ = 	snop  }
0x7: {  	_ = 	snop  }
__scs_overlays_trampoline_lowered:
0x8: {  	[smem:$0x3FAB] =	sst s0  }
0x9: {  	[smem:$0x3FAC] =	sst s1  }
0xa: {  	[smem:$0x3FAD] =	sst s2  }
0xb: {  	[smem:$0x3FAE] =	sst s3  }
0xc: {  	[smem:$0x3FAF] =	sst s4  }
0xd: {  	[smem:$0x3FB0] =	sst s5  }
0xe: {  	[smem:$0x3FB1] =	sst s6  }
0xf: {  	[smem:$0x3FB2] =	sst s7  }
0x10: {  	[smem:$0x3FB3] =	sst s8  }
0x11: {  	[smem:$0x3FB4] =	sst s9;
	s0 =	simm.s32 @!p0 $0x0  }
0x12: {  	s1 =	sld [smem:$0x3F9A];
	s0 =	simm.s32 @p0 $0x1  }
0x13: {  	[smem:$0x3FB5] =	sst s0;
	s0 =	simm.s32 @!p1 $0x0  }
0x14: {  	s2 =	sld [smem:$0x3F99];
	s0 =	simm.s32 @p1 $0x1  }
0x15: {  	[smem:$0x3FB6] =	sst s0;
	s0 =	simm.s32 @!p2 $0x0  }
0x16: {  	s3 =	sld [smem:$0x3FDB];
	s0 =	simm.s32 @p2 $0x1  }
0x17: {  	s4 =	simm.s32 $0x1BF5;
	[smem:$0x3FB8] =	sst s0  }
0x18: {  	s0 =	sld [smem:$0x3F9B];
	_ =	swait.ge [sflag:s4], $0x0  }
0x19: {  	s7 =	sld [smem:$0x3F9C]  }
0x1a: {  	s8 =	sadd.s32 $0xFFFFE003, lr  }
0x1b: {  	s9 =	sadd.s32 $0xFFFFFEF7, lr;
	s5 =	simm.s32 $0xFFFFFFFF;
	p2 =	slt.u32 s8, $0xFFFFF086  }
0x1c: {  	p1 =	slt.u32 s9, $0xF7A;
	s5 =	simm.s32 @!p2 $0x0  }
0x1d: {  	s5 =	simm.s32 @p1 $0x1;
	p0 =	seq.s32 s7, s2  }
0x1e: {  	s7 =	smul.u32 @!p0 $0xF7A, s2;
	p2 =	seq.s32 @!p0 s5, $0x0  }
0x1f: {  	s9 =	smul.u32 $0xF7A, s1;
	s8 =	simm.s32 @!p0 $0x1BF5;
	p2 =	por !p2, p0  }
0x20: {  	[sflag:s8] =	ssyncset.s32 @!p0 $0xFFFFF086;
	s6 =	sadd.s32 @!p0 s3, s7;
	s7 =	simm.s32 @!p0 $0x108  }
0x21: {  	s3 =	sadd.s32 s3, s9;
	s6 =	sadd.s32 @!p0 $0x88, s6;
	s7 =	simm.s32 @p2 $0x1082  }
0x22: {  	[simem:s7], [sflag:s8] =	dma.local @!p0 [hbm:s6], $0xF7A  }
0x23: {  	s9 =	sor.u32 $0xD0000000, s2;
	s6 =	simm.s32 $0x108;
	_ =	swait.ge @!p0 [sflag:s8], $0x0  }
0x24: {  	s3 =	sadd.s32 $0x88, s3;
	s6 =	simm.s32 @!p1 $0x1082;
	[sflag:s4] =	ssyncset.s32 $0xFFFFF086  }
0x25: {  	[simem:s6], [sflag:s4] =	dma.local [hbm:s3], $0xF7A  }
0x26: {  	[smem:$0x3F9C] =	sst s1;
	(tag) =	ssettag s2;
	_ =	strace s9  }
0x27: {  	s1 =	sld [smem:$0x3FAC]  }
0x28: {  	s2 =	sld [smem:$0x3FAD]  }
0x29: {  	s4 =	sld [smem:$0x3FAF]  }
0x2a: {  	p0 =	seq.s32 s5, $0x0;
	s5 =	sld [smem:$0x3FB0]  }
0x2b: {  	s6 =	sld [smem:$0x3FB1]  }
0x2c: {  	s7 =	sld [smem:$0x3FB2]  }
0x2d: {  	s3 =	simm.s32 $0x108;
	s8 =	sld [smem:$0x3FB3]  }
0x2e: {  	s3 =	simm.s32 @!p0 $0x1082;
	s9 =	sld [smem:$0x3FB4]  }
0x2f: {  	lr =	sadd.s32 s0, s3;
	s0 =	sld [smem:$0x3FAB]  }
0x30: {  	s3 =	sld [smem:$0x3FAE]  }
0x31: {  	[smem:$0x3FB7] =	sst s10  }
0x32: {  	s10 =	sld [smem:$0x3FB5];
	_ =	sdelay $0x3  }
0x33: {  	p0 =	seq.s32 s10, $0x1;
	s10 =	sld [smem:$0x3FB7];
	_ =	sdelay $0x3  }
0x34: {  	[smem:$0x3FB7] =	sst s10  }
0x35: {  	s10 =	sld [smem:$0x3FB6];
	_ =	sdelay $0x3  }
0x36: {  	p1 =	seq.s32 s10, $0x1;
	s10 =	sld [smem:$0x3FB7];
	_ =	sdelay $0x3  }
0x37: {  	[smem:$0x3FB7] =	sst s10  }
0x38: {  	s10 =	sld [smem:$0x3FB8]  }
0x39: {  	_ = 	snop;
	(pc) =	sbr.ind lr, $3  }
0x3a: {  	_ = 	snop  }
0x3b: {  	_ = 	snop  }
0x3c: {  	p2 =	seq.s32 s10, $0x1;
	s10 =	sld [smem:$0x3FB7]  }
0x3d: {  	_ =	shalt  }
0x3e: {  	_ =	shalt  }
0x3f: {  	_ =	shalt  }
0x40: {  	_ =	shalt  }
0x41: {  	_ =	shalt  }
0x42: {  	_ =	shalt  }
0x43: {  	_ =	shalt  }
0x44: {  	_ =	shalt  }
0x45: {  	_ =	shalt  }
0x46: {  	_ =	shalt  }
0x47: {  	_ =	shalt  }
0x48: {  	_ =	shalt  }
0x49: {  	_ =	shalt  }
0x4a: {  	_ =	shalt  }
0x4b: {  	_ =	shalt  }
0x4c: {  	_ =	shalt  }
0x4d: {  	_ =	shalt  }
0x4e: {  	_ =	shalt  }
0x4f: {  	_ =	shalt  }
0x50: {  	_ =	shalt  }
0x51: {  	_ =	shalt  }
0x52: {  	_ =	shalt  }
0x53: {  	_ =	shalt  }
0x54: {  	_ =	shalt  }
0x55: {  	_ =	shalt  }
0x56: {  	_ =	shalt  }
0x57: {  	_ =	shalt  }
0x58: {  	_ =	shalt  }
0x59: {  	_ =	shalt  }
0x5a: {  	_ =	shalt  }
0x5b: {  	_ =	shalt  }
0x5c: {  	_ =	shalt  }
0x5d: {  	_ =	shalt  }
0x5e: {  	_ =	shalt  }
0x5f: {  	_ =	shalt  }
0x60: {  	_ =	shalt  }
0x61: {  	_ =	shalt  }
0x62: {  	_ =	shalt  }
0x63: {  	_ =	shalt  }
0x64: {  	_ =	shalt  }
0x65: {  	_ =	shalt  }
0x66: {  	_ =	shalt  }
0x67: {  	_ =	shalt  }
0x68: {  	_ =	shalt  }
0x69: {  	_ =	shalt  }
0x6a: {  	_ =	shalt  }
0x6b: {  	_ =	shalt  }
0x6c: {  	_ =	shalt  }
0x6d: {  	_ =	shalt  }
0x6e: {  	_ =	shalt  }
0x6f: {  	_ =	shalt  }
0x70: {  	_ =	shalt  }
0x71: {  	_ =	shalt  }
0x72: {  	_ =	shalt  }
0x73: {  	_ =	shalt  }
0x74: {  	_ =	shalt  }
0x75: {  	_ =	shalt  }
0x76: {  	_ =	shalt  }
0x77: {  	_ =	shalt  }
0x78: {  	_ =	shalt  }
0x79: {  	_ =	shalt  }
0x7a: {  	_ =	shalt  }
0x7b: {  	_ =	shalt  }
0x7c: {  	_ =	shalt  }
0x7d: {  	_ =	shalt  }
0x7e: {  	_ =	shalt  }
0x7f: {  	_ =	shalt  }
0x80: {  	_ =	shalt  }
0x81: {  	_ =	shalt  }
0x82: {  	_ =	shalt  }
0x83: {  	_ =	shalt  }
0x84: {  	_ =	shalt  }
0x85: {  	_ =	shalt  }
0x86: {  	_ =	shalt  }
0x87: {  	_ =	shalt  }
.Lfunc_end0:
.L_simem_size_0:
called_computation_lowered:
.L_overlay_start_0:
0x88: {  	s2 =	sld [smem:$0x3FD9]  }
0x89: {  	s3 =	sld [smem:$0x3FFE];
	_ =	sdelay $0x1  }
0x8a: {  	s1 =	srdreg.scid  }
0x8b: {  	s0 =	sand.u32 $0x1, s1  }
0x8c: {  	s17 =	sshll.u32 s0, $0xA;
	s2 =	sadd.s32 s3, s2  }
0x8d: {  	s2 =	sadd.s32 s2, s17  }
0x8e: {  	[smem:$0x3FC3] =	sst s2  }
0x8f: {  	_ = 	snop  }
0x90: {  	s2 =	sld [smem:$0x3FD0];
	(tm) =	ssettm $0x1  }
0x91: {  	s18 =	sld [smem:$0x3FFB];
	_ =	sdelay $0x3  }
0x92: {  	_ =	strace s18  }
0x93: {  	s3 =	sld [smem:$0x3FFC];
	_ =	sdelay $0x3  }
0x94: {  	_ =	strace s3  }
0x95: {  	s3 =	sld [smem:$0x3FFD];
	_ =	sdelay $0x3  }
0x96: {  	_ =	strace s3  }
0x97: {  	_ =	strace $0x8FFFFFFF  }
0x98: {  	s19 =	sld [smem:$0x3FDB];
	_ =	sdelay $0x1  }
0x99: {  	s4 =	simm.s32 $_scs_section_size  }
0x9a: {  	s5 =	simm.s32 $_size__tile_overlayer_lowered;
	s6 =	simm.s32 $_tile_overlayer_lowered  }
0x9b: {  	s22 =	simm.s32 $0x1BFF;
	s21 =	sshll.u32 s6, $0x1;
	s3 =	sadd.s32 s4, s19  }
0x9c: {  	s7 =	simm.s32 $0x0;
	s20 =	sshll.u32 s5, $0x1;
	s5 =	sadd.s32 s21, s3  }
0x9d: {  	[timem:s7], [sflag:s22] =	dma.local [hbm:s5], s20  }
0x9e: {  	_ =	swait.ge [sflag:s22], s20  }
0x9f: {  	s4 =	ssub.s32 $0x0, s20;
	[sflag:s22] =	ssyncset.done $0x0  }
0xa0: {  	[sflag:s22] =	ssyncadd.s32 s4;
	_ =	sdelay $0x1  }
0xa1: {  	s23 =	simm.s32 $0x1B8B  }
0xa2: {  	_ =	swait.ge [sflag:s23], $0x1  }
0xa3: {  	[sflag:s23] =	ssyncset.done $0x0  }
0xa4: {  	s25 =	simm.s32 $0x1B8E;
	s24 =	sld [smem:$0x3FFE];
	[sflag:s23] =	ssyncadd.s32 $0xFFFFFFFF  }
0xa5: {  	s26 =	simm.s32 $execute0_lowered;
	[smem:$0x3FD2] =	sst s25  }
0xa6: {  	s5 =	sshll.u32 s26, $0x1;
	_ =	strace $0x80000046;
	[dreg:$0x1] =	wrdreg $0xFFFFFFFF  }
0xa7: {  	s28 =	simm.s32 $_size_execute0_lowered;
	s3 =	sadd.s32 s3, s5;
	[dreg:$0x0] =	wrdreg $0x0  }
0xa8: {  	s5 =	sshll.u32 s28, $0x1;
	[dreg:$0x2] =	wrdreg s3  }
0xa9: {  	[dreg:$0x3] =	wrdreg s5  }
0xaa: {  	[dreg:$0x4] =	wrdreg $0xC0  }
0xab: {  	_ =	task [dreg:s7], $0x5FFFF  }
0xac: {  	[dreg:$0x1] =	wrdreg $0xFFFFFFFF  }
0xad: {  	[dreg:$0x0] =	wrdreg $0x60  }
0xae: {  	[dreg:$0x2] =	wrdreg s24  }
0xaf: {  	[dreg:$0x3] =	wrdreg s2  }
0xb0: {  	[dreg:$0x4] =	wrdreg $0x51000  }
0xb1: {  	[dreg:$0x5] =	wrdreg $0x9  }
0xb2: {  	_ =	task.clear_ibuf [dreg:s7], $0x6FFFF;
	_ =	strace $0x90000046  }
0xb3: {  	s29 =	simm.s32 $0x9;
	_ =	strace $0x80000048  }
0xb4: {  	_ =	swait.ge [sflag:s29], $0x1  }
0xb5: {  	[sflag:s29] =	ssyncadd.s32 $0xFFFFFFFF  }
0xb6: {  	_ =	strace $0x90000048  }
0xb7: {  	_ =	sfence  }
0xb8: {  	s30 =	sld [smem:$0x0];
	_ =	sdelay $0x2  }
0xb9: {  	s31 =	sshll.u32 s1, $0xD;
	s1 =	sshrl.u32 s1, $0x2  }
0xba: {  	s3 =	sand.u32 $0x4000, s31;
	s1 =	sadd.s32 s1, s30  }
0xbb: {  	s0 =	sor.u32 s3, s0;
	s1 =	sshll.u32 s1, $0x11  }
0xbc: {  	s0 =	sor.u32 s1, s0  }
0xbd: {  	s0 =	sadd.s32 $0x8F2B, s0  }
0xbe: {  	[sflag:s0] =	ssyncadd.remote.s32 $0x1  }
0xbf: {  	_ =	sfence.sel $0xFFFF  }
0xc0: {  	[dreg:$0x0] =	wrdreg $0xFFFFFFFF;
	(pc) =	sbr.abs _section_cstart, $3  }
0xc1: {  	[dreg:$0x1] =	wrdreg $0xFFFFFFFF  }
0xc2: {  	_ =	task.clear_ibuf [dreg:s7], $0x2FFFF;
	_ =	strace $0x9FFFFFFF  }
0xc3: {  	(tm) =	ssettm $0x7FFFFFFF  }
tec
execute0_lowered:
.L_overlay_start_1:
0x0: {  	(tag) =	ssettag $0x1  }
0x1: {  	s0 =	stileid.u32  }
0x2: {  	s1 =	srdreg.scid;
	s5 =	smul.u32 $0x15180, s0  }
0x3: {  	s4 =	rddreg [dreg:$0x0];
	s3 =	smul.u32 $0xC8, s0  }
0x4: {  	s7 =	rddreg [dreg:$0x1];
	s10 =	smul.u32 $0x500, s0  }
0x5: {  	s2 =	simm.s32 $0x0;
	s6 =	sand.u32 $0x1, s1;
	s16 =	smul.u32 $0xFA00, s0  }
0x6: {  	s28 =	simm.s32 $0x3;
	s29 =	simm.s32 $0x5000;
	s8 =	smul.u32 $0x3CD80, s6  }
0x7: {  	s30 =	simm.s32 $0x5080;
	s11 =	sor.u32 $0x10, s0;
	s9 =	smul.u32 $0x3F48, s6  }
0x8: {  	s31 =	simm.s32 $0x2800;
	s19 =	sor.u32 $0x30, s0;
	s13 =	smul.u32 $0xC8, s11  }
0x9: {  	s1 =	rddreg [dreg:$0x2];
	s22 =	sor.u32 $0x40, s0;
	s21 =	smul.u32 $0xC8, s19  }
0xa: {  	[smem:$0x7FF] =	sst s2;
	s14 =	sadd.s32 $0xA00, s4;
	s26 =	smul.u32 $0xC8, s22  }
0xb: {  	s23 =	sshll.u32 s0, $0x7;
	s17 =	ssub.s32 $0x2, s6;
	s6 =	smul.u32 $0x13C680, s6  }
0xc: {  	p0 =	sne.s32 s0, $0x0;
	_ =	strace $0x80000047;
	s11 =	smul.u32 $0xFA00, s11  }
0xd: {  	s22 =	smul.u32 $0xFA00, s22;
	s15 =	sshrl.u32 s5, $0x3;
	s20 =	sshrl.u32 s17, $0x1  }
0xe: {  	s5 =	sadd.s32 s5, s1;
	s10 =	sadd.s32 s14, s10;
	s12 =	sadd.s32 s3, s9  }
0xf: {  	s3 =	sadd.s32 $0x261200, s4;
	s13 =	sadd.s32 s9, s13;
	s12 =	smul.u32 $0xA, s12  }
0x10: {  	s4 =	sadd.s32 s15, s4;
	s15 =	sor.u32 $0x20, s0;
	s13 =	smul.u32 $0xA, s13  }
0x11: {  	s17 =	ssub.s32 s17, s20;
	s21 =	sadd.s32 s9, s21;
	s18 =	smul.u32 $0xC8, s15  }
0x12: {  	s6 =	sshrl.u32 s6, $0x3;
	s11 =	sshrl.u32 s11, $0x2;
	s21 =	smul.u32 $0xA, s21  }
0x13: {  	s4 =	sadd.s32 $0x270600, s4;
	s6 =	sadd.s32 s7, s6;
	s11 =	sadd.s32 s11, s1  }
0x14: {  	[dreg:$0x4] =	wrdreg s4;
	s4 =	sadd.s32 s23, s8;
	s6 =	sadd.s32 $0x27100, s6  }
0x15: {  	s18 =	sadd.s32 s9, s18;
	s9 =	sadd.s32 s9, s26;
	s12 =	sadd.s32 s7, s12  }
0x16: {  	s20 =	sadd.s32 s7, s13;
	s24 =	sadd.s32 s7, s21;
	[dreg:$0xc] =	wrdreg s6  }
0x17: {  	s13 =	sor.u32 $0x790, s0;
	s18 =	smul.u32 $0xA, s18;
	[dreg:$0x5] =	wrdreg s12  }
0x18: {  	s21 =	sshrl.u32 s16, $0x2;
	s9 =	smul.u32 $0xA, s9;
	[dreg:$0x6] =	wrdreg s20  }
0x19: {  	[dreg:$0x8] =	wrdreg s24;
	s25 =	sshll.u32 s13, $0x7;
	s12 =	sshll.u32 s0, $0x6  }
0x1a: {  	s20 =	smul.u32 $0xFA00, s19;
	s24 =	sshrl.u32 s22, $0x2;
	p1 =	sgt.u32 s13, $0x79A  }
0x1b: {  	s0 =	sadd.s32 $0x138800, s1;
	s19 =	sshrl.u32 s5, $0x3;
	s5 =	simm.s32 $0x4  }
0x1c: {  	s26 =	sadd.s32 s8, s25;
	s12 =	sor.u32 $0x1C03, s12;
	s24 =	sadd.s32 s24, s1  }
0x1d: {  	s25 =	sadd.s32 $0x800, s4;
	s23 =	sadd.s32 s7, s18;
	s9 =	sadd.s32 s7, s9  }
0x1e: {  	s18 =	smul.u32 $0xFA00, s15;
	s7 =	sshrl.u32 s26, $0x3;
	s6 =	sshrl.u32 s25, $0x3  }
0x1f: {  	s26 =	smax.u32 s17, $0x1;
	s24 =	sshrl.u32 s24, $0x3;
	[dreg:$0x7] =	wrdreg s23  }
0x20: {  	s25 =	sshrl.u32 @!p0 s0, $0x3;
	s15 =	smov.u32 s10;
	[dreg:$0x9] =	wrdreg s9  }
0x21: {  	s0 =	simm.s32 $0x1;
	s9 =	smul.u32 $0x500, s13;
	[dreg:$0xd] =	wrdreg s26  }
0x22: {  	s16 =	sadd.s32 s3, s7;
	s17 =	sadd.s32 s6, s3;
	s26 =	sadd.s32 $0x5000, s10  }
0x23: {  	s6 =	simm.s32 $0x2;
	s7 =	simm.s32 $0x0;
	s8 =	sadd.s32 s14, s9  }
0x24: {  	s14 =	sshrl.u32 s4, $0x3;
	s9 =	sadd.s32 s21, s1;
	s21 =	sshrl.u32 s11, $0x3  }
0x25: {  	[dreg:$0xa] =	wrdreg s8;
	s8 =	sadd.s32 s3, s14;
	s14 =	sshrl.u32 s18, $0x2  }
0x26: {  	s18 =	sadd.s32 $0x1000, s4;
	[dreg:$0xb] =	wrdreg s8;
	s8 =	sshrl.u32 s20, $0x2  }
0x27: {  	s4 =	simm.s32 $0x80;
	s23 =	sadd.s32 s14, s1;
	s8 =	sadd.s32 s8, s1  }
0x28: {  	s20 =	sshrl.u32 s9, $0x3;
	s22 =	sshrl.u32 s23, $0x3;
	s23 =	sshrl.u32 s8, $0x3  }
.LBB2_1:
0x29: {  	s8 =	rddreg [dreg:$0x4]  }
0x2a: {  	[spmem:s19], [sflag:s12] =	dma.local [hbm:s8], $0x2A30  }
0x2b: {  	_ =	swait.ge [sflag:s28], $0x2A30  }
0x2c: {  	[sflag:s28] =	ssyncset.done $0x0  }
0x2d: {  	[sflag:s28] =	ssyncadd.s32 $0xFFFFD5D0  }
0x2e: {  	[bflag:$0x0] =	sbarrier.arrive $0xFFFF  }
0x2f: {  	s10 =	rddreg [dreg:$0xb]  }
0x30: {  	[tilespmem:s29], [sflag:$0x1] =	stream.linear.gather [hbm4b:s10+s2], $0x80, $0x38;
	[tilespmem:$0x1A280] =	vst v63  }
0x31: {  	_ = 	snop  }
0x32: {  	[tilespmem:s2], [sflag:$0x1] =	stream.linear.gather [hbm4b:s15+s2], $0x2800, $0x38;
	[tilespmem:$0x1A280] =	vst v63  }
0x33: {  	s11 =	sadd.s32 $0x0, s17  }
0x34: {  	[tilespmem:s30], [sflag:$0x2] =	stream.linear.gather [hbm4b:s11+s2], $0x80, $0x38;
	[tilespmem:$0x1A280] =	vst v63  }
0x35: {  	_ = 	snop  }
0x36: {  	[tilespmem:s31], [sflag:$0x2] =	stream.linear.gather [hbm4b:s26+s2], $0x2800, $0x38;
	[tilespmem:$0x1A280] =	vst v63  }
0x37: {  	_ =	swait.ge [sflag:s0], $0x80  }
0x38: {  	[sflag:s0] =	ssyncset.done $0x0  }
0x39: {  	[sflag:s0] =	ssyncadd.s32 $0xFFFFFF80  }
0x3a: {  	_ =	swait.ge [sflag:s0], $0x2800  }
0x3b: {  	[sflag:s0] =	ssyncset.done $0x0  }
0x3c: {  	[sflag:s0] =	ssyncadd.s32 $0xFFFFD800  }
0x3d: {  	[spmem:s1] =	stream.indirect.scatter.add.f32 [tilespmem:s2], [sflag:$0x4], $0x50, s29, s4, $0xb8;
	[tilespmem:$0x1A280] =	vst v63  }
0x3e: {  	_ =	swait.ge [sflag:s5], $0x2800  }
0x3f: {  	s13 =	sshrl.u32 s18, $0x3;
	[sflag:s5] =	ssyncset.done $0x0  }
0x40: {  	s8 =	sadd.s32 s3, s13;
	[sflag:s5] =	ssyncadd.s32 $0xFFFFD800  }
0x41: {  	[tilespmem:s29], [sflag:$0x1] =	stream.linear.gather [hbm4b:s8+s2], $0x80, $0x38;
	[tilespmem:$0x1A280] =	vst v63  }
0x42: {  	s14 =	sadd.s32 $0x5000, s26  }
0x43: {  	[tilespmem:s2], [sflag:$0x1] =	stream.linear.gather [hbm4b:s14+s2], $0x2800, $0x38;
	[tilespmem:$0x1A280] =	vst v63  }
0x44: {  	_ =	swait.ge [sflag:s6], $0x80  }
0x45: {  	[sflag:s6] =	ssyncset.done $0x0  }
0x46: {  	[sflag:s6] =	ssyncadd.s32 $0xFFFFFF80  }
0x47: {  	_ =	swait.ge [sflag:s6], $0x2800  }
0x48: {  	[sflag:s6] =	ssyncset.done $0x0  }
0x49: {  	[sflag:s6] =	ssyncadd.s32 $0xFFFFD800  }
0x4a: {  	[spmem:s1] =	stream.indirect.scatter.add.f32 [tilespmem:s31], [sflag:$0x3], $0x50, s30, s4, $0xb8;
	[tilespmem:$0x1A280] =	vst v63  }
0x4b: {  	s9 =	sadd.s32 $0x1000, s18;
	s13 =	simm.s32 $0x400;
	_ =	swait.ge [sflag:s28], $0x2800  }
0x4c: {  	s11 =	simm.s32 $0x200;
	s8 =	sadd.s32 $0xA000, s26;
	[sflag:s28] =	ssyncset.done $0x0  }
.LBB2_2:
0x4d: {  	s10 =	sadd.s32 s11, s17  }
0x4e: {  	[sflag:s28] =	ssyncadd.s32 $0xFFFFD800;
	s11 =	smov.u32 s13;
	s14 =	sadd.s32 $0x200, s13  }
0x4f: {  	[tilespmem:s30], [sflag:$0x2] =	stream.linear.gather [hbm4b:s10+s2], $0x80, $0x38;
	[tilespmem:$0x1A280] =	vst v63  }
0x50: {  	p2 =	sne.s32 s13, $0x7600  }
0x51: {  	[tilespmem:s31], [sflag:$0x2] =	stream.linear.gather [hbm4b:s8+s2], $0x2800, $0x38;
	[tilespmem:$0x1A280] =	vst v63  }
0x52: {  	_ =	swait.ge [sflag:s0], $0x80  }
0x53: {  	[sflag:s0] =	ssyncset.done $0x0  }
0x54: {  	[sflag:s0] =	ssyncadd.s32 $0xFFFFFF80  }
0x55: {  	_ =	swait.ge [sflag:s0], $0x2800  }
0x56: {  	[sflag:s0] =	ssyncset.done $0x0  }
0x57: {  	[sflag:s0] =	ssyncadd.s32 $0xFFFFD800  }
0x58: {  	[spmem:s1] =	stream.indirect.scatter.add.f32 [tilespmem:s2], [sflag:$0x4], $0x50, s29, s4, $0xb8;
	[tilespmem:$0x1A280] =	vst v63  }
0x59: {  	_ =	swait.ge [sflag:s5], $0x2800  }
0x5a: {  	s10 =	sshrl.u32 s9, $0x3;
	[sflag:s5] =	ssyncset.done $0x0  }
0x5b: {  	s10 =	sadd.s32 s3, s10;
	[sflag:s5] =	ssyncadd.s32 $0xFFFFD800  }
0x5c: {  	[tilespmem:s29], [sflag:$0x1] =	stream.linear.gather [hbm4b:s10+s2], $0x80, $0x38;
	[tilespmem:$0x1A280] =	vst v63  }
0x5d: {  	s10 =	sadd.s32 $0x5000, s8  }
0x5e: {  	[tilespmem:s2], [sflag:$0x1] =	stream.linear.gather [hbm4b:s10+s2], $0x2800, $0x38;
	[tilespmem:$0x1A280] =	vst v63  }
0x5f: {  	_ =	swait.ge [sflag:s6], $0x80  }
0x60: {  	[sflag:s6] =	ssyncset.done $0x0  }
0x61: {  	[sflag:s6] =	ssyncadd.s32 $0xFFFFFF80  }
0x62: {  	_ =	swait.ge [sflag:s6], $0x2800  }
.Ltmp0:
0x63: {  	[sflag:s6] =	ssyncset.done $0x0;
	(pc) =	sbr.rel @p2 .LBB2_2-.Ltmp0, $4  }
0x64: {  	[sflag:s6] =	ssyncadd.s32 $0xFFFFD800  }
0x65: {  	[spmem:s1] =	stream.indirect.scatter.add.f32 [tilespmem:s31], [sflag:$0x3], $0x50, s30, s4, $0xb8;
	[tilespmem:$0x1A280] =	vst v63  }
0x66: {  	s9 =	sadd.s32 $0x1000, s9;
	_ =	swait.ge [sflag:s28], $0x2800  }
0x67: {  	s13 =	smov.u32 s14;
	s8 =	sadd.s32 $0xA000, s8;
	[sflag:s28] =	ssyncset.done $0x0  }
0x68: {  	s10 =	sadd.s32 s11, s17;
	[sflag:s28] =	ssyncadd.s32 $0xFFFFD800  }
0x69: {  	[tilespmem:s30], [sflag:$0x2] =	stream.linear.gather [hbm4b:s10+s2], $0x80, $0x38;
	[tilespmem:$0x1A280] =	vst v63  }
0x6a: {  	_ = 	snop  }
0x6b: {  	[tilespmem:s31], [sflag:$0x2] =	stream.linear.gather [hbm4b:s8+s2], $0x2800, $0x38;
	[tilespmem:$0x1A280] =	vst v63  }
0x6c: {  	_ =	swait.ge [sflag:s0], $0x80  }
0x6d: {  	[sflag:s0] =	ssyncset.done $0x0  }
0x6e: {  	[sflag:s0] =	ssyncadd.s32 $0xFFFFFF80  }
0x6f: {  	_ =	swait.ge [sflag:s0], $0x2800  }
0x70: {  	[sflag:s0] =	ssyncset.done $0x0  }
0x71: {  	[sflag:s0] =	ssyncadd.s32 $0xFFFFD800  }
0x72: {  	[spmem:s1] =	stream.indirect.scatter.add.f32 [tilespmem:s2], [sflag:$0x4], $0x50, s29, s4, $0xb8;
	[tilespmem:$0x1A280] =	vst v63  }
0x73: {  	_ =	swait.ge [sflag:s5], $0x2800  }
0x74: {  	s9 =	sshrl.u32 s9, $0x3;
	[sflag:s5] =	ssyncset.done $0x0  }
0x75: {  	s9 =	sadd.s32 s3, s9;
	[sflag:s5] =	ssyncadd.s32 $0xFFFFD800  }
0x76: {  	[tilespmem:s29], [sflag:$0x1] =	stream.linear.gather [hbm4b:s9+s2], $0x80, $0x38;
	[tilespmem:$0x1A280] =	vst v63  }
0x77: {  	s13 =	sadd.s32 $0x5000, s8  }
0x78: {  	[tilespmem:s2], [sflag:$0x1] =	stream.linear.gather [hbm4b:s13+s2], $0x2800, $0x38;
	[tilespmem:$0x1A280] =	vst v63  }
0x79: {  	_ =	swait.ge [sflag:s6], $0x80  }
0x7a: {  	[sflag:s6] =	ssyncset.done $0x0  }
0x7b: {  	[sflag:s6] =	ssyncadd.s32 $0xFFFFFF80  }
0x7c: {  	_ =	swait.ge [sflag:s6], $0x2800  }
0x7d: {  	[sflag:s6] =	ssyncset.done $0x0  }
0x7e: {  	[sflag:s6] =	ssyncadd.s32 $0xFFFFD800  }
0x7f: {  	[spmem:s1] =	stream.indirect.scatter.add.f32 [tilespmem:s31], [sflag:$0x3], $0x50, s30, s4, $0xb8;
	[tilespmem:$0x1A280] =	vst v63  }
0x80: {  	_ =	swait.ge [sflag:s28], $0x2800  }
0x81: {  	[sflag:s28] =	ssyncset.done $0x0  }
0x82: {  	s8 =	simm.s32 @p1 $0x1;
	[sflag:s28] =	ssyncadd.s32 $0xFFFFD800  }
0x83: {  	_ =	swait.ge @p1 [sflag:s8], $0x80  }
0x84: {  	[sflag:s8] =	ssyncset.done @p1 $0x0  }
0x85: {  	[sflag:s8] =	ssyncadd.s32 @p1 $0xFFFFFF80  }
0x86: {  	_ =	swait.ge @p1 [sflag:s8], $0x2800  }
0x87: {  	s10 =	simm.s32 @p1 $0x0;
	[sflag:s8] =	ssyncset.done @p1 $0x0  }
0x88: {  	s9 =	simm.s32 @p1 $0x5000;
	[sflag:s8] =	ssyncadd.s32 @p1 $0xFFFFD800;
	s8 =	simm.s32 @p1 $0x80  }
0x89: {  	[spmem:s1] =	stream.indirect.scatter.add.f32 @p1 [tilespmem:s10], [sflag:$0x4], $0x50, s9, s8, $0xb8;
	[tilespmem:$0x1A280] =	vst v63  }
0x8a: {  	s8 =	simm.s32 @!p1 $0x0;
	s9 =	simm.s32 @!p1 $0x5080  }
0x8b: {  	[tilespmem:s9], [sflag:$0x2] =	stream.linear.gather @!p1 [hbm4b:s16+s8], $0x80, $0x38;
	[tilespmem:$0x1A280] =	vst v63  }
0x8c: {  	s11 =	rddreg [dreg:$0xa];
	s10 =	simm.s32 @!p1 $0x2800  }
0x8d: {  	[tilespmem:s10], [sflag:$0x2] =	stream.linear.gather @!p1 [hbm4b:s11+s8], $0x2800, $0x38;
	[tilespmem:$0x1A280] =	vst v63  }
0x8e: {  	s11 =	simm.s32 @!p1 $0x1  }
0x8f: {  	_ =	swait.ge @!p1 [sflag:s11], $0x80  }
0x90: {  	[sflag:s11] =	ssyncset.done @!p1 $0x0  }
0x91: {  	[sflag:s11] =	ssyncadd.s32 @!p1 $0xFFFFFF80  }
0x92: {  	_ =	swait.ge @!p1 [sflag:s11], $0x2800  }
0x93: {  	[sflag:s11] =	ssyncset.done @!p1 $0x0  }
0x94: {  	s13 =	simm.s32 @!p1 $0x5000;
	[sflag:s11] =	ssyncadd.s32 @!p1 $0xFFFFD800;
	s11 =	simm.s32 @!p1 $0x80  }
0x95: {  	[spmem:s1] =	stream.indirect.scatter.add.f32 @!p1 [tilespmem:s8], [sflag:$0x4], $0x50, s13, s11, $0xb8;
	[tilespmem:$0x1A280] =	vst v63  }
0x96: {  	s8 =	simm.s32 @!p1 $0x4  }
0x97: {  	_ =	swait.ge @!p1 [sflag:s8], $0x2800  }
0x98: {  	[sflag:s8] =	ssyncset.done @!p1 $0x0  }
0x99: {  	[sflag:s8] =	ssyncadd.s32 @!p1 $0xFFFFD800;
	s8 =	simm.s32 @!p1 $0x2  }
0x9a: {  	_ =	swait.ge @!p1 [sflag:s8], $0x80  }
0x9b: {  	[sflag:s8] =	ssyncset.done @!p1 $0x0  }
0x9c: {  	[sflag:s8] =	ssyncadd.s32 @!p1 $0xFFFFFF80  }
0x9d: {  	_ =	swait.ge @!p1 [sflag:s8], $0x2800  }
0x9e: {  	[sflag:s8] =	ssyncset.done @!p1 $0x0  }
0x9f: {  	[sflag:s8] =	ssyncadd.s32 @!p1 $0xFFFFD800;
	s8 =	simm.s32 @!p1 $0x3  }
0xa0: {  	[spmem:s1] =	stream.indirect.scatter.add.f32 @!p1 [tilespmem:s10], [sflag:$0x3], $0x50, s9, s11, $0xb8;
	[tilespmem:$0x1A280] =	vst v63  }
0xa1: {  	s8 =	simm.s32 @p1 $0x4  }
0xa2: {  	_ =	swait.ge [sflag:s8], $0x2800  }
0xa3: {  	[sflag:s8] =	ssyncset.done $0x0  }
0xa4: {  	[sflag:s8] =	ssyncadd.s32 $0xFFFFD800  }
0xa5: {  	[bflag:$0x0] =	sbarrier.arrive $0xFFFF  }
0xa6: {  	s14 =	rddreg [dreg:$0x5]  }
0xa7: {  	[hbm:s14], [sflag:s12] =	dma.local [spmem:s20], $0x7D0  }
0xa8: {  	_ =	swait.ge [sflag:s28], $0x7D0  }
0xa9: {  	[sflag:s28] =	ssyncset.done $0x0  }
0xaa: {  	s9 =	rddreg [dreg:$0x6];
	[sflag:s28] =	ssyncadd.s32 $0xFFFFF830  }
0xab: {  	[hbm:s9], [sflag:s12] =	dma.local [spmem:s21], $0x7D0  }
0xac: {  	_ =	swait.ge [sflag:s28], $0x7D0  }
0xad: {  	[sflag:s28] =	ssyncset.done $0x0  }
0xae: {  	s10 =	rddreg [dreg:$0x7];
	[sflag:s28] =	ssyncadd.s32 $0xFFFFF830  }
0xaf: {  	[hbm:s10], [sflag:s12] =	dma.local [spmem:s22], $0x7D0  }
0xb0: {  	_ =	swait.ge [sflag:s28], $0x7D0  }
0xb1: {  	[sflag:s28] =	ssyncset.done $0x0  }
0xb2: {  	s11 =	rddreg [dreg:$0x8];
	[sflag:s28] =	ssyncadd.s32 $0xFFFFF830  }
0xb3: {  	[hbm:s11], [sflag:s12] =	dma.local [spmem:s23], $0x7D0  }
0xb4: {  	_ =	swait.ge [sflag:s28], $0x7D0  }
0xb5: {  	[sflag:s28] =	ssyncset.done $0x0  }
0xb6: {  	s13 =	rddreg [dreg:$0x9];
	[sflag:s28] =	ssyncadd.s32 $0xFFFFF830  }
0xb7: {  	[hbm:s13], [sflag:s12] =	dma.local [spmem:s24], $0x7D0  }
0xb8: {  	_ =	swait.ge [sflag:s28], $0x7D0  }
0xb9: {  	[sflag:s28] =	ssyncset.done $0x0  }
0xba: {  	s8 =	rddreg [dreg:$0xc];
	[sflag:s28] =	ssyncadd.s32 $0xFFFFF830  }
0xbb: {  	[hbm:s8], [sflag:s12] =	dma.local @!p0 [spmem:s25], $0x7D0  }
0xbc: {  	s8 =	simm.s32 @!p0 $0x3  }
0xbd: {  	_ =	swait.ge @!p0 [sflag:s8], $0x7D0  }
0xbe: {  	s7 =	sadd.s32 $0x1, s7;
	s14 =	rddreg [dreg:$0xd]  }
0xbf: {  	p2 =	sne.s32 s7, s14  }
.Ltmp1:
0xc0: {  	_ = 	snop;
	(pc) =	sbr.rel @p2 .LBB2_1-.Ltmp1, $3  }
0xc1: {  	_ =	sdelay $0x1  }
0xc2: {  	[sflag:s8] =	ssyncset.done @!p0 $0x0  }
0xc3: {  	[sflag:s8] =	ssyncadd.s32 @!p0 $0xFFFFF830  }
0xc4: {  	_ =	sfence.sel $0x180000  }
0xc5: {  	[bflag:$0x0] =	sbarrier.arrive $0xFFFF  }
0xc6: {  	_ =	strace $0x90000047  }
0xc7: {  	[bflag:$0x2] =	sbarrier.arrive $0xFFFF  }
0xc8: {  	s0 =	rddreg [dreg:$0x3]  }
0xc9: {  	s0 =	sadd.s32 @!p0 $0x100000, s0  }
0xca: {  	[sflag:s0] =	ssyncadd.tile.s32 @!p0 $0x1;
	_ =	shalt  }
.Lfunc_end2:
_tile_overlayer_lowered:
.L_overlay_start_2:
0xcb: {  	(tag) =	ssettag $0x2  }
0xcc: {  	s0 =	rddreg [dreg:$0x0];
	s2 =	stileid.u32  }
0xcd: {  	s1 =	rddreg [dreg:$0x1];
	p0 =	sne.s32 s2, $0x0  }
0xce: {  	s3 =	rddreg [dreg:$0x2];
	[bflag:$0x3] =	sbarrier.arrive $0xFFFF;
	s2 =	simm.s32 @!p0 $0x1C03  }
0xcf: {  	[timem:s3], [sflag:s2] =	dma.local @!p0 [hbm:s0], s1  }
0xd0: {  	s0 =	simm.s32 @!p0 $0x3  }
0xd1: {  	_ =	swait.ge @!p0 [sflag:s0], s1  }
0xd2: {  	s1 =	ssub.s32 @!p0 $0x0, s1;
	[sflag:s0] =	ssyncset.done @!p0 $0x0  }
0xd3: {  	[sflag:s0] =	ssyncadd.s32 @!p0 s1  }
0xd4: {  	[bflag:$0x3] =	sbarrier.arrive $0xFFFF  }
0xd5: {  	_ =	shalt  }

</sc_bundles>
